<compile_context>
chip_gen: v7x
topology: tpu7x:2x2x1
jax: 0.10.2.dev20260603
libtpu: 0.0.44.dev20260713+nightly
codegen_flags: <defaults>
</compile_context>

<pallas_src>
import functools

import jax
import jax.numpy as jnp
from jax import lax
from jax.experimental import pallas as pl
from jax.experimental.pallas import tpu as pltpu
from jax.experimental.pallas import tpu_sc as plsc

NN = 50000
NE = 800000
NG = 500
NEG = 0.2
EPS = 1e-16

RB = 1000
GRID = NN // RB

CK = 128
NSC = 1
SK = CK * NSC
NCHUNK = NE // SK
NSUB = 16
RPS = 3128
RPS_LAST = NN - 15 * RPS

F32 = jnp.float32
I32 = jnp.int32


def _halves(fout):
  d0 = (fout + 1) // 2
  return d0, fout - d0


def _pack_haug(haug, fout, ht_ref, es2_ref, ed_ref, gmax_ref):
  h = haug[:, :fout]
  es = haug[:, fout]
  ed = haug[:, fout + 1]
  d0, d1 = _halves(fout)

  def _padded(part, d):
    if d == 32:
      return part
    return jnp.concatenate([part, jnp.zeros((part.shape[0], 32 - d), F32)],
                           axis=1)

  ht_ref[0] = _padded(h[:, :d0], d0)
  ht_ref[1] = _padded(h[:, d0:], d1)
  es2_ref[0, 0, 0] = es
  es2_ref[1, 0, 0] = es
  ed_ref[0, 0] = ed
  i = pl.program_id(0)

  @pl.when(i == 0)
  def _():
    gmax_ref[...] = jnp.full((16,), -jnp.inf, F32)

  gmax_ref[...] = jnp.maximum(gmax_ref[...], jnp.max(es))


def _tc_first_body(x_ref, w_ref, ht_ref, es2_ref, ed_ref, gmax_ref, *, fout):
  haug = jnp.dot(x_ref[...], w_ref[...], preferred_element_type=F32)
  _pack_haug(haug, fout, ht_ref, es2_ref, ed_ref, gmax_ref)


def _finalize_x(acc_ref, den_ref, b_ref, fin, relu):
  d0, d1 = _halves(fin)
  den = den_ref[0, 0] + EPS
  x = jnp.concatenate([acc_ref[0][:, :d0], acc_ref[1][:, :d1]], axis=1)
  x = x / den[:, None] + b_ref[...]
  if relu:
    x = jnp.maximum(x, 0.0)
  return x


def _tc_mid_body(acc_ref, den_ref, b_ref, w_ref,
                 ht_ref, es2_ref, ed_ref, gmax_ref, *rest, fin, fout,
                 want_x):
  x = _finalize_x(acc_ref, den_ref, b_ref, fin, True)
  if want_x:
    rest[0][...] = x
  haug = jnp.dot(x, w_ref[...], preferred_element_type=F32)
  _pack_haug(haug, fout, ht_ref, es2_ref, ed_ref, gmax_ref)


def _tc_mask3_body(acc_ref, den_ref, b_ref, lat_ref, w_ref,
                   ht_ref, es2_ref, ed_ref, gmax_ref, msk_ref, out2_ref,
                   *, fout):
  den = den_ref[0, 0] + EPS
  z0 = acc_ref[0][:, 0] / den + b_ref[0]
  z1 = acc_ref[1][:, 0] / den + b_ref[1]
  t = z1 - z0
  soft = 1.0 / (1.0 + jnp.exp(-t))
  hard = (t > 0.0).astype(F32)
  lat = lat_ref[...]
  msk = lat * soft[:, None]
  msk_ref[...] = msk
  out2_ref[...] = lat * hard[:, None]
  haug = jnp.dot(msk, w_ref[...], preferred_element_type=F32)
  _pack_haug(haug, fout, ht_ref, es2_ref, ed_ref, gmax_ref)


def _tc_last_body(acc_ref, den_ref, b_ref, d3_ref, *, fin):
  d3_ref[...] = _finalize_x(acc_ref, den_ref, b_ref, fin, False)


def _tc_pool_body(msk_ref, batch_ref, out_ref):
  i = pl.program_id(0)
  seg = batch_ref[0, 0]
  gidx = lax.broadcasted_iota(I32, (RB, NG), 1)
  oh = (seg[:, None] == gidx).astype(F32)
  x1 = jnp.concatenate([msk_ref[...], jnp.ones((RB, 1), F32)], axis=1)
  contrib = lax.dot_general(oh, x1, (((0,), (0,)), ((), ())),
                            preferred_element_type=F32)

  @pl.when(i == 0)
  def _():
    out_ref[...] = jnp.zeros_like(out_ref)

  out_ref[...] += contrib


def _tc_head_body(pool_ref, w1_ref, b1_ref, w2_ref, b2_ref, c_ref):
  pool = pool_ref[...]
  counts = jnp.maximum(pool[:, 64], 1.0)
  c = pool[:, :64] / counts[:, None]
  c = jnp.dot(c, w1_ref[...], preferred_element_type=F32) + b1_ref[...]
  c = jnp.dot(c, w2_ref[...], preferred_element_type=F32) + b2_ref[...]
  c_ref[...] = c


def _full(shape):
  return pl.BlockSpec(shape, lambda i: tuple(0 for _ in shape))


_HT_SPEC = pl.BlockSpec((2, RB, 32), lambda i: (0, i, 0))
_ES2_SPEC = pl.BlockSpec((2, 1, 1, RB), lambda i: (0, i, 0, 0))
_ED_SPEC = pl.BlockSpec((1, 1, RB), lambda i: (i, 0, 0))
_GMAX_SPEC = pl.BlockSpec((16,), lambda i: (0,))
_ACC_SPEC = pl.BlockSpec((2, RB, 32), lambda i: (0, i, 0))
_DEN_SPEC = pl.BlockSpec((1, 1, RB), lambda i: (i, 0, 0))
_X_SPEC = lambda d: pl.BlockSpec((RB, d), lambda i: (i, 0))

_HAUG_OUT = lambda: [
    jax.ShapeDtypeStruct((2, NN, 32), F32),
    jax.ShapeDtypeStruct((2, GRID, 1, RB), F32),
    jax.ShapeDtypeStruct((GRID, 1, RB), F32),
    jax.ShapeDtypeStruct((16,), F32),
]
_HAUG_SPECS = lambda: [_HT_SPEC, _ES2_SPEC, _ED_SPEC, _GMAX_SPEC]


def _tc_first(x, w_aug, fout):
  f = functools.partial(_tc_first_body, fout=fout)
  return pl.pallas_call(
      f, grid=(GRID,),
      in_specs=[_X_SPEC(x.shape[1]), _full(w_aug.shape)],
      out_specs=_HAUG_SPECS(),
      out_shape=_HAUG_OUT(),
  )(x, w_aug)


def _tc_mid(acc, den, b, w_aug, fin, fout, want_x=False):
  f = functools.partial(_tc_mid_body, fin=fin, fout=fout, want_x=want_x)
  out_specs = _HAUG_SPECS()
  out_shape = _HAUG_OUT()
  if want_x:
    out_specs.append(_X_SPEC(fin))
    out_shape.append(jax.ShapeDtypeStruct((NN, fin), F32))
  return pl.pallas_call(
      f, grid=(GRID,),
      in_specs=[_ACC_SPEC, _DEN_SPEC, _full(b.shape), _full(w_aug.shape)],
      out_specs=out_specs,
      out_shape=out_shape,
  )(acc, den, b, w_aug)


def _tc_mask3(acc, den, b, latent, w_aug, fout):
  f = functools.partial(_tc_mask3_body, fout=fout)
  out_specs = _HAUG_SPECS() + [_X_SPEC(64), _X_SPEC(64)]
  out_shape = _HAUG_OUT() + [jax.ShapeDtypeStruct((NN, 64), F32),
                             jax.ShapeDtypeStruct((NN, 64), F32)]
  return pl.pallas_call(
      f, grid=(GRID,),
      in_specs=[_ACC_SPEC, _DEN_SPEC, _full(b.shape), _X_SPEC(64),
                _full(w_aug.shape)],
      out_specs=out_specs,
      out_shape=out_shape,
  )(acc, den, b, latent, w_aug)


def _tc_last(acc, den, b, fin):
  f = functools.partial(_tc_last_body, fin=fin)
  return pl.pallas_call(
      f, grid=(GRID,),
      in_specs=[_ACC_SPEC, _DEN_SPEC, _full(b.shape)],
      out_specs=_X_SPEC(fin),
      out_shape=jax.ShapeDtypeStruct((NN, fin), F32),
  )(acc, den, b)


def _tc_pool(msk, batch):
  return pl.pallas_call(
      _tc_pool_body, grid=(GRID,),
      in_specs=[_X_SPEC(64), pl.BlockSpec((1, 1, RB), lambda i: (i, 0, 0))],
      out_specs=pl.BlockSpec((NG, 65), lambda i: (0, 0)),
      out_shape=jax.ShapeDtypeStruct((NG, 65), F32),
  )(msk, batch)


def _tc_head(pool, w1, b1, w2, b2):
  return pl.pallas_call(
      _tc_head_body, grid=(1,),
      in_specs=[_full(pool.shape), _full(w1.shape), _full(b1.shape),
                _full(w2.shape), _full(b2.shape)],
      out_specs=_full((NG, 11)),
      out_shape=jax.ShapeDtypeStruct((NG, 11), F32),
  )(pool, w1, b1, w2, b2)



def _sc_edge_body(ht, es2, ed, gmax, ei, z32, z1,
                  acc_out, den_out,
                  srcva, dstva, esga, edga, rowga, pva,
                  srcvb, dstvb, esgb, edgb, rowgb, pvb, gmx,
                  acc_sh, den_sh, gsem, ssem):
  c = lax.axis_index("c")
  s = lax.axis_index("s")
  row0 = s * RPS

  @pl.when(s < 15)
  def _():
    pltpu.sync_copy(z32, acc_sh.at[pl.ds(row0, RPS), :])
    pltpu.sync_copy(z1, den_sh.at[pl.ds(row0, RPS), :])

  @pl.when(s == 15)
  def _():
    pltpu.sync_copy(z32.at[pl.ds(0, RPS_LAST), :],
                    acc_sh.at[pl.ds(row0, RPS_LAST), :])
    pltpu.sync_copy(z1.at[pl.ds(0, RPS_LAST), :],
                    den_sh.at[pl.ds(row0, RPS_LAST), :])

  pltpu.sync_copy(gmax, gmx)
  plsc.subcore_barrier()

  gm = gmx[...]
  coff = c * NN
  ntrip = jnp.where(s < (NCHUNK % NSUB), NCHUNK // NSUB + 1, NCHUNK // NSUB)
  bufs = [(srcva, dstva, esga, edga, rowga, pva),
          (srcvb, dstvb, esgb, edgb, rowgb, pvb)][:NSC]

  def chunk_body(k, carry):
    off = (s + NSUB * k) * SK
    for j, (sv, dv, _, _, _, _) in enumerate(bufs):
      pltpu.sync_copy(ei.at[0, pl.ds(off + j * CK, CK)], sv)
      pltpu.sync_copy(ei.at[1, pl.ds(off + j * CK, CK)], dv)
    for sv, _, _, _, _, _ in bufs:
      for g in range(CK // 16):
        sl = pl.ds(g * 16, 16)
        sv[sl] = sv[sl] + coff
    ds_ = []
    for sv, dv, esg, edg, rowg, _ in bufs:
      ds_.append(pltpu.async_copy(es2.at[sv], esg, gsem))
      ds_.append(pltpu.async_copy(ed.at[dv], edg, gsem))
      ds_.append(pltpu.async_copy(ht.at[sv], rowg, gsem))
    for d in ds_:
      d.wait()
    zcol = jnp.zeros((16,), I32)
    base = lax.iota(I32, 16)
    for _, _, esg, edg, rowg, pv in bufs:
      for g in range(CK // 16):
        sl = pl.ds(g * 16, 16)
        a = esg[sl]
        bb = edg[sl]
        t = a + bb
        e = jnp.maximum(t, NEG * t)
        u = gm + bb
        cb = jnp.maximum(u, NEG * u)
        p = jnp.exp(e - cb)
        plsc.store_scatter(pv, [base + (g * 16), zcol], p)

      def row_body(r, carry2, rowg=rowg, pv=pv):
        bc = plsc.load_gather(pv, [jnp.full((16,), r, I32),
                                   jnp.zeros((16,), I32)])
        rowg[r, pl.ds(0, 16)] = rowg[r, pl.ds(0, 16)] * bc
        rowg[r, pl.ds(16, 16)] = rowg[r, pl.ds(16, 16)] * bc
        return carry2

      lax.fori_loop(0, CK, row_body, 0)
    ds_ = []
    for _, dv, _, _, rowg, pv in bufs:
      ds_.append(pltpu.async_copy(pv, den_sh.at[dv], ssem, add=True))
      ds_.append(pltpu.async_copy(rowg, acc_sh.at[dv], ssem, add=True))
    for d in ds_:
      d.wait()
    return carry

  lax.fori_loop(0, ntrip, chunk_body, 0)
  plsc.subcore_barrier()
  out0 = coff + row0

  @pl.when(s < 15)
  def _():
    pltpu.sync_copy(acc_sh.at[pl.ds(row0, RPS), :],
                    acc_out.at[pl.ds(out0, RPS), :])
    pltpu.sync_copy(den_sh.at[pl.ds(row0, RPS), :],
                    den_out.at[pl.ds(out0, RPS), :])

  @pl.when(s == 15)
  def _():
    pltpu.sync_copy(acc_sh.at[pl.ds(row0, RPS_LAST), :],
                    acc_out.at[pl.ds(out0, RPS_LAST), :])
    pltpu.sync_copy(den_sh.at[pl.ds(row0, RPS_LAST), :],
                    den_out.at[pl.ds(out0, RPS_LAST), :])


@functools.partial(jax.jit, static_argnums=())
def _sc_edge_call(ht, es2, ed, gmax, ei, z32, z8):
  mesh = plsc.VectorSubcoreMesh(core_axis_name="c", subcore_axis_name="s")
  kern = pl.kernel(
      _sc_edge_body,
      out_type=[jax.ShapeDtypeStruct((2 * NN, 32), F32),
                jax.ShapeDtypeStruct((2 * NN, 1), F32)],
      mesh=mesh,
      compiler_params=pltpu.CompilerParams(needs_layout_passes=False,
                                           use_tc_tiling_on_sc=False),
      scratch_types=[
          pltpu.VMEM((CK,), I32),
          pltpu.VMEM((CK,), I32),
          pltpu.VMEM((CK,), F32),
          pltpu.VMEM((CK,), F32),
          pltpu.VMEM((CK, 32), F32),
          pltpu.VMEM((CK, 1), F32),
          pltpu.VMEM((CK,), I32),
          pltpu.VMEM((CK,), I32),
          pltpu.VMEM((CK,), F32),
          pltpu.VMEM((CK,), F32),
          pltpu.VMEM((CK, 32), F32),
          pltpu.VMEM((CK, 1), F32),
          pltpu.VMEM((16,), F32),
          pltpu.VMEM_SHARED((NN, 32), F32),
          pltpu.VMEM_SHARED((NN, 1), F32),
          pltpu.SemaphoreType.DMA,
          pltpu.SemaphoreType.DMA,
      ],
  )
  return kern(ht, es2, ed, gmax, ei, z32, z8)


def _sc_edge(ht, es2, ed, gmax, ei, z32, z1):
  acc, den = _sc_edge_call(ht.reshape(2 * NN, 32), es2.reshape(2 * NN),
                           ed.reshape(NN), gmax, ei, z32, z1)
  return acc.reshape(2, NN, 32), den.reshape(2, NN)[0].reshape(GRID, 1, RB)


def _aug(p):
  w, a_src, a_dst, b = p
  return jnp.concatenate(
      [w, (w @ a_src)[:, None], (w @ a_dst)[:, None]], axis=1), b


def kernel(x, edge_index, y, batch, epoch, params):
  del y, epoch
  ei = edge_index.astype(I32)
  z32 = jnp.zeros((RPS, 32), F32)
  z1 = jnp.zeros((RPS, 1), F32)

  wa1, b1 = _aug(params['conv1'])
  wa2, b2 = _aug(params['conv2'])
  wa3, b3 = _aug(params['conv3'])
  wm1, bm1 = _aug(params['mask1'])
  wm2, bm2 = _aug(params['mask2'])
  wm3, bm3 = _aug(params['mask3'])
  wa4, b4 = _aug(params['conv4'])
  wa5, b5 = _aug(params['conv5'])
  wa6, b6 = _aug(params['conv6'])

  def edge(haug):
    ht, es2, ed, gmax = haug[0], haug[1], haug[2], haug[3]
    return _sc_edge(ht, es2, ed, gmax, ei, z32, z1)

  o = _tc_first(x, wa1, 64)
  acc, den = edge(o)
  o = _tc_mid(acc, den, b1, wa2, 64, 64)
  acc, den = edge(o)
  o = _tc_mid(acc, den, b2, wa3, 64, 64)
  acc, den = edge(o)
  o = _tc_mid(acc, den, b3, wm1, 64, 32, want_x=True)
  latent = o[4]
  acc, den = edge(o)
  o = _tc_mid(acc, den, bm1, wm2, 32, 32)
  acc, den = edge(o)
  o = _tc_mid(acc, den, bm2, wm3, 32, 2)
  acc, den = edge(o)
  o = _tc_mask3(acc, den, bm3, latent, wa4, 64)
  msk, out2 = o[4], o[5]
  acc, den = edge(o)
  o = _tc_mid(acc, den, b4, wa5, 64, 64)
  acc, den = edge(o)
  o = _tc_mid(acc, den, b5, wa6, 64, 5)
  acc, den = edge(o)
  d3 = _tc_last(acc, den, b6, 5)

  pool = _tc_pool(msk, batch.astype(I32).reshape(GRID, 1, RB))
  w1, bb1 = params['lin1']
  w2, bb2 = params['lin2']
  c = _tc_head(pool, w1, bb1, w2, bb2)
  return (d3, out2, c)

# --- scband reference (transcript-rebuilt; emitter-appended) ---
"""Pipeline reference for scband-net-90074054132251 (READ-ONLY COPY).

The authoritative reference and input builder live on the scoring server;
editing this copy changes nothing except your own understanding.
"""

import jax, jax.numpy as jnp
import numpy as np

N_NODES = 50000
N_EDGES = 800000
N_GRAPHS = 500
D_IN = 5
HID = 64


def _gat_params(key, fin, fout):
    k1, k2, k3 = jax.random.split(key, 3)
    s = 1.0 / np.sqrt(fin)
    W = jax.random.uniform(k1, (fin, fout), minval=-s, maxval=s, dtype=jnp.float32)
    a_src = jax.random.normal(k2, (fout,), dtype=jnp.float32) * 0.1
    a_dst = jax.random.normal(k3, (fout,), dtype=jnp.float32) * 0.1
    b = jnp.zeros((fout,), dtype=jnp.float32)
    return (W, a_src, a_dst, b)


def _lin_params(key, fin, fout):
    k1, k2 = jax.random.split(key, 2)
    s = 1.0 / np.sqrt(fin)
    W = jax.random.uniform(k1, (fin, fout), minval=-s, maxval=s, dtype=jnp.float32)
    b = jax.random.uniform(k2, (fout,), minval=-s, maxval=s, dtype=jnp.float32)
    return (W, b)


def setup_inputs(seed: int = 0) -> dict:
    key = jax.random.key(seed)
    ks = jax.random.split(key, 16)
    x = jax.random.normal(ks[0], (N_NODES, D_IN), dtype=jnp.float32)
    edge_index = jax.random.randint(ks[1], (2, N_EDGES), 0, N_NODES, dtype=jnp.int32)
    batch = jnp.sort(jax.random.randint(ks[2], (N_NODES,), 0, N_GRAPHS, dtype=jnp.int32))
    y = jax.random.randint(ks[3], (N_GRAPHS,), 0, 11, dtype=jnp.int32)
    params = {
        'conv1': _gat_params(ks[4], D_IN, HID),
        'conv2': _gat_params(ks[5], HID, HID),
        'conv3': _gat_params(ks[6], HID, HID),
        'mask1': _gat_params(ks[7], HID, 32),
        'mask2': _gat_params(ks[8], 32, 32),
        'mask3': _gat_params(ks[9], 32, 2),
        'conv4': _gat_params(ks[10], HID, HID),
        'conv5': _gat_params(ks[11], HID, HID),
        'conv6': _gat_params(ks[12], HID, D_IN),
        'lin1': _lin_params(ks[13], HID, HID),
        'lin2': _lin_params(ks[14], HID, 11),
    }
    return {'x': x, 'edge_index': edge_index, 'y': y, 'batch': batch, 'epoch': 50, 'params': params}


def _gat(p, x, src, dst):
    # PyG GATConv with heads=1: linear, edge attention, per-dst softmax, scatter-add
    W, a_src, a_dst, b = p
    h = x @ W
    e_src = jnp.sum(h * a_src, axis=-1)
    e_dst = jnp.sum(h * a_dst, axis=-1)
    e = jax.nn.leaky_relu(e_src[src] + e_dst[dst], negative_slope=0.2)
    emax = jax.ops.segment_max(e, dst, num_segments=N_NODES)
    emax = jnp.where(jnp.isfinite(emax), emax, 0.0)
    ee = jnp.exp(e - emax[dst])
    den = jax.ops.segment_sum(ee, dst, num_segments=N_NODES)
    alpha = ee / (den[dst] + 1e-16)
    out = jax.ops.segment_sum(h[src] * alpha[:, None], dst, num_segments=N_NODES)
    return out + b


def reference(x, edge_index, y, batch, epoch, params):
    src = edge_index[0]
    dst = edge_index[1]
    e = jax.nn.relu(_gat(params['conv1'], x, src, dst))
    e = jax.nn.relu(_gat(params['conv2'], e, src, dst))
    latent = jax.nn.relu(_gat(params['conv3'], e, src, dst))
    m = jax.nn.relu(_gat(params['mask1'], latent, src, dst))
    m = jax.nn.relu(_gat(params['mask2'], m, src, dst))
    sm = jax.nn.softmax(_gat(params['mask3'], m, src, dst), axis=1)
    max_index = jax.lax.stop_gradient(jnp.argmax(sm, axis=1))[:, None].astype(jnp.float32)
    soft_argmax = jnp.sum(sm * jnp.arange(2, dtype=sm.dtype), axis=1, keepdims=True)
    msk_latent = latent * soft_argmax
    counts = jnp.bincount(batch, length=N_GRAPHS)
    c = jax.ops.segment_sum(msk_latent, batch, num_segments=N_GRAPHS)
    c = c / jnp.maximum(counts, 1)[:, None].astype(c.dtype)
    W1, b1 = params['lin1']
    c = c @ W1 + b1
    W2, b2 = params['lin2']
    c = c @ W2 + b2
    # penalty bookkeeping (side-effect state in the torch module; epoch <= 100 branch)
    r_soft = jax.ops.segment_sum(soft_argmax[:, 0], batch, num_segments=N_GRAPHS)
    gi = jnp.maximum(counts, 1).astype(jnp.float32)
    r_rate = jnp.mean(jnp.abs(r_soft / gi - 0.5) * 10.0)
    var = jnp.var(soft_argmax, ddof=1)
    penalty = jnp.where(epoch > 100, r_rate - var, -var)  # noqa: F841
    d1 = jax.nn.relu(_gat(params['conv4'], msk_latent, src, dst))
    d2 = jax.nn.relu(_gat(params['conv5'], d1, src, dst))
    d3 = _gat(params['conv6'], d2, src, dst)
    return (d3, latent * max_index, c)

if __name__ == "__main__":
    import jax
    _d = setup_inputs()
    print(jax.jit(kernel)(*tuple(_d.values())))

</pallas_src>

<mosaic_0001>
#map = affine_map<(d0, d1) -> (0, 0)>
#map1 = affine_map<(d0, d1) -> (0)>
module attributes {stable_mosaic.version = 14 : i64} {
  func.func @_sc_edge_body(%arg0: i32, %arg1: i32, %arg2: memref<100000x32xf32, #tpu.memory_space<hbm>>, %arg3: memref<100000xf32, #tpu.memory_space<hbm>>, %arg4: memref<50000xf32, #tpu.memory_space<hbm>>, %arg5: memref<16xf32, #tpu.memory_space<hbm>>, %arg6: memref<2x800000xi32, #tpu.memory_space<hbm>>, %arg7: memref<3128x32xf32, #tpu.memory_space<hbm>>, %arg8: memref<3128x1xf32, #tpu.memory_space<hbm>>, %arg9: memref<100000x32xf32, #tpu.memory_space<hbm>>, %arg10: memref<100000x1xf32, #tpu.memory_space<hbm>>, %arg11: memref<128xi32, #tpu.memory_space<vmem>>, %arg12: memref<128xi32, #tpu.memory_space<vmem>>, %arg13: memref<128xf32, #tpu.memory_space<vmem>>, %arg14: memref<128xf32, #tpu.memory_space<vmem>>, %arg15: memref<128x32xf32, #tpu.memory_space<vmem>>, %arg16: memref<128x1xf32, #tpu.memory_space<vmem>>, %arg17: memref<128xi32, #tpu.memory_space<vmem>>, %arg18: memref<128xi32, #tpu.memory_space<vmem>>, %arg19: memref<128xf32, #tpu.memory_space<vmem>>, %arg20: memref<128xf32, #tpu.memory_space<vmem>>, %arg21: memref<128x32xf32, #tpu.memory_space<vmem>>, %arg22: memref<128x1xf32, #tpu.memory_space<vmem>>, %arg23: memref<16xf32, #tpu.memory_space<vmem>>, %arg24: memref<50000x32xf32, #tpu.memory_space<vmem_shared>>, %arg25: memref<50000x1xf32, #tpu.memory_space<vmem_shared>>, %arg26: memref<!tpu.dma_semaphore, #tpu.memory_space<semaphore_mem>>, %arg27: memref<!tpu.dma_semaphore, #tpu.memory_space<semaphore_mem>>) attributes {dimension_semantics = [#tpu.dimension_semantics<core_parallel>, #tpu.dimension_semantics<subcore_parallel>], iteration_bounds = array<i64: 2, 16>, scalar_prefetch = 0 : i64, scratch_operands = 17 : i64, tpu.core_type = #tpu.core_type<sc_vector_subcore>, window_params = [{transform_indices = #map}, {transform_indices = #map1}, {transform_indices = #map1}, {transform_indices = #map1}, {transform_indices = #map}, {transform_indices = #map}, {transform_indices = #map}, {transform_indices = #map}, {transform_indices = #map}]} {
    %mul3A = arith.constant 3128 : i32
    %mul3A_0 = arith.muli %arg1, %mul3A : i32
    %lt3A = arith.constant 15 : i32
    %lt3A_1 = arith.cmpi slt, %arg1, %lt3A : i32
    %convert_element_type3A = arith.extui %lt3A_1 : i1 to i32
    %cond3A = arith.constant 0 : i32
    %cond3A_2 = arith.cmpi ne, %convert_element_type3A, %cond3A : i32
    scf.if %cond3A_2 {
      "tpu.region"() ({
        %run_scoped3A = tpu.sem_alloc : memref<!tpu.dma_semaphore, #tpu.memory_space<semaphore_mem>>
        %dma_start3A = arith.constant 0 : i32
        %dma_start3A_33 = tpu.memref_slice %arg24[%mul3A_0, %dma_start3A] : memref<50000x32xf32, #tpu.memory_space<vmem_shared>> -> memref<3128x32xf32, #tpu.memory_space<vmem_shared>>
        tpu.enqueue_dma source(%arg7 : memref<3128x32xf32, #tpu.memory_space<hbm>>) target(%dma_start3A_33 : memref<3128x32xf32, #tpu.memory_space<vmem_shared>>) target_semaphore(%run_scoped3A : memref<!tpu.dma_semaphore, #tpu.memory_space<semaphore_mem>>)
        %dma_wait3A = arith.constant 0 : i32
        %dma_wait3A_34 = tpu.memref_slice %arg24[%mul3A_0, %dma_wait3A] : memref<50000x32xf32, #tpu.memory_space<vmem_shared>> -> memref<3128x32xf32, #tpu.memory_space<vmem_shared>>
        tpu.wait_dma2 semaphore(%run_scoped3A : memref<!tpu.dma_semaphore, #tpu.memory_space<semaphore_mem>>) src(%arg7 : memref<3128x32xf32, #tpu.memory_space<hbm>>) dst(%dma_wait3A_34 : memref<3128x32xf32, #tpu.memory_space<vmem_shared>>)
        tpu.yield
      }) : () -> ()
      "tpu.region"() ({
        %run_scoped3A = tpu.sem_alloc : memref<!tpu.dma_semaphore, #tpu.memory_space<semaphore_mem>>
        %dma_start3A = arith.constant 0 : i32
        %dma_start3A_33 = tpu.memref_slice %arg25[%mul3A_0, %dma_start3A] : memref<50000x1xf32, #tpu.memory_space<vmem_shared>> -> memref<3128x1xf32, #tpu.memory_space<vmem_shared>>
        tpu.enqueue_dma source(%arg8 : memref<3128x1xf32, #tpu.memory_space<hbm>>) target(%dma_start3A_33 : memref<3128x1xf32, #tpu.memory_space<vmem_shared>>) target_semaphore(%run_scoped3A : memref<!tpu.dma_semaphore, #tpu.memory_space<semaphore_mem>>)
        %dma_wait3A = arith.constant 0 : i32
        %dma_wait3A_34 = tpu.memref_slice %arg25[%mul3A_0, %dma_wait3A] : memref<50000x1xf32, #tpu.memory_space<vmem_shared>> -> memref<3128x1xf32, #tpu.memory_space<vmem_shared>>
        tpu.wait_dma2 semaphore(%run_scoped3A : memref<!tpu.dma_semaphore, #tpu.memory_space<semaphore_mem>>) src(%arg8 : memref<3128x1xf32, #tpu.memory_space<hbm>>) dst(%dma_wait3A_34 : memref<3128x1xf32, #tpu.memory_space<vmem_shared>>)
        tpu.yield
      }) : () -> ()
    } else {
    }
    %eq3A = arith.constant 15 : i32
    %eq3A_3 = arith.cmpi eq, %arg1, %eq3A : i32
    %convert_element_type3A_4 = arith.extui %eq3A_3 : i1 to i32
    %cond3A_5 = arith.constant 0 : i32
    %cond3A_6 = arith.cmpi ne, %convert_element_type3A_4, %cond3A_5 : i32
    scf.if %cond3A_6 {
      "tpu.region"() ({
        %run_scoped3A = tpu.sem_alloc : memref<!tpu.dma_semaphore, #tpu.memory_space<semaphore_mem>>
        %dma_start3A = arith.constant 0 : i32
        %dma_start3A_33 = tpu.memref_slice %arg24[%mul3A_0, %dma_start3A] : memref<50000x32xf32, #tpu.memory_space<vmem_shared>> -> memref<3080x32xf32, #tpu.memory_space<vmem_shared>>
        %dma_start3A_34 = arith.constant 0 : i32
        %dma_start3A_35 = arith.constant 0 : i32
        %dma_start3A_36 = tpu.memref_slice %arg7[%dma_start3A_34, %dma_start3A_35] : memref<3128x32xf32, #tpu.memory_space<hbm>> -> memref<3080x32xf32, #tpu.memory_space<hbm>>
        tpu.enqueue_dma source(%dma_start3A_36 : memref<3080x32xf32, #tpu.memory_space<hbm>>) target(%dma_start3A_33 : memref<3080x32xf32, #tpu.memory_space<vmem_shared>>) target_semaphore(%run_scoped3A : memref<!tpu.dma_semaphore, #tpu.memory_space<semaphore_mem>>)
        %dma_wait3A = arith.constant 0 : i32
        %dma_wait3A_37 = tpu.memref_slice %arg24[%mul3A_0, %dma_wait3A] : memref<50000x32xf32, #tpu.memory_space<vmem_shared>> -> memref<3080x32xf32, #tpu.memory_space<vmem_shared>>
        %dma_wait3A_38 = arith.constant 0 : i32
        %dma_wait3A_39 = arith.constant 0 : i32
        %dma_wait3A_40 = tpu.memref_slice %arg7[%dma_wait3A_38, %dma_wait3A_39] : memref<3128x32xf32, #tpu.memory_space<hbm>> -> memref<3080x32xf32, #tpu.memory_space<hbm>>
        tpu.wait_dma2 semaphore(%run_scoped3A : memref<!tpu.dma_semaphore, #tpu.memory_space<semaphore_mem>>) src(%dma_wait3A_40 : memref<3080x32xf32, #tpu.memory_space<hbm>>) dst(%dma_wait3A_37 : memref<3080x32xf32, #tpu.memory_space<vmem_shared>>)
        tpu.yield
      }) : () -> ()
      "tpu.region"() ({
        %run_scoped3A = tpu.sem_alloc : memref<!tpu.dma_semaphore, #tpu.memory_space<semaphore_mem>>
        %dma_start3A = arith.constant 0 : i32
        %dma_start3A_33 = tpu.memref_slice %arg25[%mul3A_0, %dma_start3A] : memref<50000x1xf32, #tpu.memory_space<vmem_shared>> -> memref<3080x1xf32, #tpu.memory_space<vmem_shared>>
        %dma_start3A_34 = arith.constant 0 : i32
        %dma_start3A_35 = arith.constant 0 : i32
        %dma_start3A_36 = tpu.memref_slice %arg8[%dma_start3A_34, %dma_start3A_35] : memref<3128x1xf32, #tpu.memory_space<hbm>> -> memref<3080x1xf32, #tpu.memory_space<hbm>>
        tpu.enqueue_dma source(%dma_start3A_36 : memref<3080x1xf32, #tpu.memory_space<hbm>>) target(%dma_start3A_33 : memref<3080x1xf32, #tpu.memory_space<vmem_shared>>) target_semaphore(%run_scoped3A : memref<!tpu.dma_semaphore, #tpu.memory_space<semaphore_mem>>)
        %dma_wait3A = arith.constant 0 : i32
        %dma_wait3A_37 = tpu.memref_slice %arg25[%mul3A_0, %dma_wait3A] : memref<50000x1xf32, #tpu.memory_space<vmem_shared>> -> memref<3080x1xf32, #tpu.memory_space<vmem_shared>>
        %dma_wait3A_38 = arith.constant 0 : i32
        %dma_wait3A_39 = arith.constant 0 : i32
        %dma_wait3A_40 = tpu.memref_slice %arg8[%dma_wait3A_38, %dma_wait3A_39] : memref<3128x1xf32, #tpu.memory_space<hbm>> -> memref<3080x1xf32, #tpu.memory_space<hbm>>
        tpu.wait_dma2 semaphore(%run_scoped3A : memref<!tpu.dma_semaphore, #tpu.memory_space<semaphore_mem>>) src(%dma_wait3A_40 : memref<3080x1xf32, #tpu.memory_space<hbm>>) dst(%dma_wait3A_37 : memref<3080x1xf32, #tpu.memory_space<vmem_shared>>)
        tpu.yield
      }) : () -> ()
    } else {
    }
    "tpu.region"() ({
      %run_scoped3A = tpu.sem_alloc : memref<!tpu.dma_semaphore, #tpu.memory_space<semaphore_mem>>
      tpu.enqueue_dma source(%arg5 : memref<16xf32, #tpu.memory_space<hbm>>) target(%arg23 : memref<16xf32, #tpu.memory_space<vmem>>) target_semaphore(%run_scoped3A : memref<!tpu.dma_semaphore, #tpu.memory_space<semaphore_mem>>)
      tpu.wait_dma2 semaphore(%run_scoped3A : memref<!tpu.dma_semaphore, #tpu.memory_space<semaphore_mem>>) src(%arg5 : memref<16xf32, #tpu.memory_space<hbm>>) dst(%arg23 : memref<16xf32, #tpu.memory_space<vmem>>)
      tpu.yield
    }) : () -> ()
    %barrier3A = arith.constant 0 : index
    tpu.barrier barrier_id(%barrier3A)
    %get3A = arith.constant 0 : index
    %get3A_7 = tpu.vector_load %arg23[%get3A] {strides = array<i32>} : memref<16xf32, #tpu.memory_space<vmem>>, vector<16xf32>,
    %mul3A_8 = arith.constant 50000 : i32
    %mul3A_9 = arith.muli %arg0, %mul3A_8 : i32
    %lt3A_10 = arith.constant 10 : i32
    %lt3A_11 = arith.cmpi slt, %arg1, %lt3A_10 : i32
    %jit3A = arith.constant 391 : i32
    %jit3A_12 = arith.constant 390 : i32
    %select_n3A = arith.select %lt3A_11, %jit3A, %jit3A_12 : i32
    %while3A = arith.constant 0 : i32
    %while3A_13 = arith.constant 0 : i32
    %while3A_14 = arith.subi %select_n3A, %while3A_13 : i32
    %while3A_15 = arith.addi %while3A_13, %while3A_14 : i32
    %while3A_16 = arith.constant 1 : i32
    %while3A_17 = arith.divsi %while3A_14, %while3A_16 : i32
    %while3A_18 = arith.muli %while3A_17, %while3A_16 : i32
    %while3A_19 = arith.addi %while3A_13, %while3A_18 : i32
    %while3A_20 = arith.constant 1 : i32
    scf.for %while3A_33 = %while3A_13 to %while3A_19 step %while3A_20  : i32 {
      %mul3A_34 = arith.constant 16 : i32
      %mul3A_35 = arith.muli %mul3A_34, %while3A_33 : i32
      %add3A_36 = arith.addi %arg1, %mul3A_35 : i32
      %mul3A_37 = arith.constant 128 : i32
      %mul3A_38 = arith.muli %add3A_36, %mul3A_37 : i32
      %add3A_39 = arith.constant 0 : i32
      %add3A_40 = arith.addi %mul3A_38, %add3A_39 : i32
      %run_scoped3A = arith.constant 0 : i32
      "tpu.region"() ({
        %run_scoped3A_270 = tpu.sem_alloc : memref<!tpu.dma_semaphore, #tpu.memory_space<semaphore_mem>>
        %dma_start3A_271 = tpu.memref_slice %arg6[%run_scoped3A, %add3A_40] : memref<2x800000xi32, #tpu.memory_space<hbm>> -> memref<1x128xi32, #tpu.memory_space<hbm>>
        %dma_start3A_272 = tpu.memref_squeeze %dma_start3A_271 : memref<1x128xi32, #tpu.memory_space<hbm>> -> memref<128xi32, #tpu.memory_space<hbm>>
        %dma_start3A_273 = tpu.memref_slice %arg6[%run_scoped3A, %add3A_40] : memref<2x800000xi32, #tpu.memory_space<hbm>> -> memref<1x128xi32, #tpu.memory_space<hbm>>
        %dma_start3A_274 = tpu.memref_squeeze %dma_start3A_273 : memref<1x128xi32, #tpu.memory_space<hbm>> -> memref<128xi32, #tpu.memory_space<hbm>>
        tpu.enqueue_dma source(%dma_start3A_274 : memref<128xi32, #tpu.memory_space<hbm>>) target(%arg11 : memref<128xi32, #tpu.memory_space<vmem>>) target_semaphore(%run_scoped3A_270 : memref<!tpu.dma_semaphore, #tpu.memory_space<semaphore_mem>>)
        %dma_wait3A_275 = tpu.memref_slice %arg6[%run_scoped3A, %add3A_40] : memref<2x800000xi32, #tpu.memory_space<hbm>> -> memref<1x128xi32, #tpu.memory_space<hbm>>
        %dma_wait3A_276 = tpu.memref_squeeze %dma_wait3A_275 : memref<1x128xi32, #tpu.memory_space<hbm>> -> memref<128xi32, #tpu.memory_space<hbm>>
        %dma_wait3A_277 = tpu.memref_slice %arg6[%run_scoped3A, %add3A_40] : memref<2x800000xi32, #tpu.memory_space<hbm>> -> memref<1x128xi32, #tpu.memory_space<hbm>>
        %dma_wait3A_278 = tpu.memref_squeeze %dma_wait3A_277 : memref<1x128xi32, #tpu.memory_space<hbm>> -> memref<128xi32, #tpu.memory_space<hbm>>
        tpu.wait_dma2 semaphore(%run_scoped3A_270 : memref<!tpu.dma_semaphore, #tpu.memory_space<semaphore_mem>>) src(%dma_wait3A_278 : memref<128xi32, #tpu.memory_space<hbm>>) dst(%arg11 : memref<128xi32, #tpu.memory_space<vmem>>)
        tpu.yield
      }) : () -> ()
      %add3A_41 = arith.constant 0 : i32
      %add3A_42 = arith.addi %mul3A_38, %add3A_41 : i32
      %run_scoped3A_43 = arith.constant 1 : i32
      "tpu.region"() ({
        %run_scoped3A_270 = tpu.sem_alloc : memref<!tpu.dma_semaphore, #tpu.memory_space<semaphore_mem>>
        %dma_start3A_271 = tpu.memref_slice %arg6[%run_scoped3A_43, %add3A_42] : memref<2x800000xi32, #tpu.memory_space<hbm>> -> memref<1x128xi32, #tpu.memory_space<hbm>>
        %dma_start3A_272 = tpu.memref_squeeze %dma_start3A_271 : memref<1x128xi32, #tpu.memory_space<hbm>> -> memref<128xi32, #tpu.memory_space<hbm>>
        %dma_start3A_273 = tpu.memref_slice %arg6[%run_scoped3A_43, %add3A_42] : memref<2x800000xi32, #tpu.memory_space<hbm>> -> memref<1x128xi32, #tpu.memory_space<hbm>>
        %dma_start3A_274 = tpu.memref_squeeze %dma_start3A_273 : memref<1x128xi32, #tpu.memory_space<hbm>> -> memref<128xi32, #tpu.memory_space<hbm>>
        tpu.enqueue_dma source(%dma_start3A_274 : memref<128xi32, #tpu.memory_space<hbm>>) target(%arg12 : memref<128xi32, #tpu.memory_space<vmem>>) target_semaphore(%run_scoped3A_270 : memref<!tpu.dma_semaphore, #tpu.memory_space<semaphore_mem>>)
        %dma_wait3A_275 = tpu.memref_slice %arg6[%run_scoped3A_43, %add3A_42] : memref<2x800000xi32, #tpu.memory_space<hbm>> -> memref<1x128xi32, #tpu.memory_space<hbm>>
        %dma_wait3A_276 = tpu.memref_squeeze %dma_wait3A_275 : memref<1x128xi32, #tpu.memory_space<hbm>> -> memref<128xi32, #tpu.memory_space<hbm>>
        %dma_wait3A_277 = tpu.memref_slice %arg6[%run_scoped3A_43, %add3A_42] : memref<2x800000xi32, #tpu.memory_space<hbm>> -> memref<1x128xi32, #tpu.memory_space<hbm>>
        %dma_wait3A_278 = tpu.memref_squeeze %dma_wait3A_277 : memref<1x128xi32, #tpu.memory_space<hbm>> -> memref<128xi32, #tpu.memory_space<hbm>>
        tpu.wait_dma2 semaphore(%run_scoped3A_270 : memref<!tpu.dma_semaphore, #tpu.memory_space<semaphore_mem>>) src(%dma_wait3A_278 : memref<128xi32, #tpu.memory_space<hbm>>) dst(%arg12 : memref<128xi32, #tpu.memory_space<vmem>>)
        tpu.yield
      }) : () -> ()
      %get3A_44 = arith.constant 0 : index
      %get3A_45 = tpu.vector_load %arg11[%get3A_44] {strides = array<i32>} : memref<128xi32, #tpu.memory_space<vmem>>, vector<16xi32>,
      %add3A_46 = vector.broadcast %mul3A_9 : i32 to vector<16xi32>
      %add3A_47 = arith.addi %get3A_45, %add3A_46 : vector<16xi32>
      %swap3A = arith.constant 0 : index
      %swap3A_48 = tpu.vector_load %arg11[%swap3A] {strides = array<i32>} : memref<128xi32, #tpu.memory_space<vmem>>, vector<16xi32>,
      tpu.vector_store %arg11[%swap3A], %add3A_47 {strides = array<i32>} : memref<128xi32, #tpu.memory_space<vmem>>, vector<16xi32>,
      %get3A_49 = arith.constant 16 : index
      %get3A_50 = tpu.vector_load %arg11[%get3A_49] {strides = array<i32>} : memref<128xi32, #tpu.memory_space<vmem>>, vector<16xi32>,
      %add3A_51 = vector.broadcast %mul3A_9 : i32 to vector<16xi32>
      %add3A_52 = arith.addi %get3A_50, %add3A_51 : vector<16xi32>
      %swap3A_53 = arith.constant 16 : index
      %swap3A_54 = tpu.vector_load %arg11[%swap3A_53] {strides = array<i32>} : memref<128xi32, #tpu.memory_space<vmem>>, vector<16xi32>,
      tpu.vector_store %arg11[%swap3A_53], %add3A_52 {strides = array<i32>} : memref<128xi32, #tpu.memory_space<vmem>>, vector<16xi32>,
      %get3A_55 = arith.constant 32 : index
      %get3A_56 = tpu.vector_load %arg11[%get3A_55] {strides = array<i32>} : memref<128xi32, #tpu.memory_space<vmem>>, vector<16xi32>,
      %add3A_57 = vector.broadcast %mul3A_9 : i32 to vector<16xi32>
      %add3A_58 = arith.addi %get3A_56, %add3A_57 : vector<16xi32>
      %swap3A_59 = arith.constant 32 : index
      %swap3A_60 = tpu.vector_load %arg11[%swap3A_59] {strides = array<i32>} : memref<128xi32, #tpu.memory_space<vmem>>, vector<16xi32>,
      tpu.vector_store %arg11[%swap3A_59], %add3A_58 {strides = array<i32>} : memref<128xi32, #tpu.memory_space<vmem>>, vector<16xi32>,
      %get3A_61 = arith.constant 48 : index
      %get3A_62 = tpu.vector_load %arg11[%get3A_61] {strides = array<i32>} : memref<128xi32, #tpu.memory_space<vmem>>, vector<16xi32>,
      %add3A_63 = vector.broadcast %mul3A_9 : i32 to vector<16xi32>
      %add3A_64 = arith.addi %get3A_62, %add3A_63 : vector<16xi32>
      %swap3A_65 = arith.constant 48 : index
      %swap3A_66 = tpu.vector_load %arg11[%swap3A_65] {strides = array<i32>} : memref<128xi32, #tpu.memory_space<vmem>>, vector<16xi32>,
      tpu.vector_store %arg11[%swap3A_65], %add3A_64 {strides = array<i32>} : memref<128xi32, #tpu.memory_space<vmem>>, vector<16xi32>,
      %get3A_67 = arith.constant 64 : index
      %get3A_68 = tpu.vector_load %arg11[%get3A_67] {strides = array<i32>} : memref<128xi32, #tpu.memory_space<vmem>>, vector<16xi32>,
      %add3A_69 = vector.broadcast %mul3A_9 : i32 to vector<16xi32>
      %add3A_70 = arith.addi %get3A_68, %add3A_69 : vector<16xi32>
      %swap3A_71 = arith.constant 64 : index
      %swap3A_72 = tpu.vector_load %arg11[%swap3A_71] {strides = array<i32>} : memref<128xi32, #tpu.memory_space<vmem>>, vector<16xi32>,
      tpu.vector_store %arg11[%swap3A_71], %add3A_70 {strides = array<i32>} : memref<128xi32, #tpu.memory_space<vmem>>, vector<16xi32>,
      %get3A_73 = arith.constant 80 : index
      %get3A_74 = tpu.vector_load %arg11[%get3A_73] {strides = array<i32>} : memref<128xi32, #tpu.memory_space<vmem>>, vector<16xi32>,
      %add3A_75 = vector.broadcast %mul3A_9 : i32 to vector<16xi32>
      %add3A_76 = arith.addi %get3A_74, %add3A_75 : vector<16xi32>
      %swap3A_77 = arith.constant 80 : index
      %swap3A_78 = tpu.vector_load %arg11[%swap3A_77] {strides = array<i32>} : memref<128xi32, #tpu.memory_space<vmem>>, vector<16xi32>,
      tpu.vector_store %arg11[%swap3A_77], %add3A_76 {strides = array<i32>} : memref<128xi32, #tpu.memory_space<vmem>>, vector<16xi32>,
      %get3A_79 = arith.constant 96 : index
      %get3A_80 = tpu.vector_load %arg11[%get3A_79] {strides = array<i32>} : memref<128xi32, #tpu.memory_space<vmem>>, vector<16xi32>,
      %add3A_81 = vector.broadcast %mul3A_9 : i32 to vector<16xi32>
      %add3A_82 = arith.addi %get3A_80, %add3A_81 : vector<16xi32>
      %swap3A_83 = arith.constant 96 : index
      %swap3A_84 = tpu.vector_load %arg11[%swap3A_83] {strides = array<i32>} : memref<128xi32, #tpu.memory_space<vmem>>, vector<16xi32>,
      tpu.vector_store %arg11[%swap3A_83], %add3A_82 {strides = array<i32>} : memref<128xi32, #tpu.memory_space<vmem>>, vector<16xi32>,
      %get3A_85 = arith.constant 112 : index
      %get3A_86 = tpu.vector_load %arg11[%get3A_85] {strides = array<i32>} : memref<128xi32, #tpu.memory_space<vmem>>, vector<16xi32>,
      %add3A_87 = vector.broadcast %mul3A_9 : i32 to vector<16xi32>
      %add3A_88 = arith.addi %get3A_86, %add3A_87 : vector<16xi32>
      %swap3A_89 = arith.constant 112 : index
      %swap3A_90 = tpu.vector_load %arg11[%swap3A_89] {strides = array<i32>} : memref<128xi32, #tpu.memory_space<vmem>>, vector<16xi32>,
      tpu.vector_store %arg11[%swap3A_89], %add3A_88 {strides = array<i32>} : memref<128xi32, #tpu.memory_space<vmem>>, vector<16xi32>,
      %dma_start3A = arith.constant 0 : i32
      %dma_start3A_91 = tpu.memref_slice %arg3[%dma_start3A] : memref<100000xf32, #tpu.memory_space<hbm>> -> memref<100000xf32, #tpu.memory_space<hbm>>
      tpu.enqueue_indirect_dma source(%dma_start3A_91 : memref<100000xf32, #tpu.memory_space<hbm>>) target(%arg13 : memref<128xf32, #tpu.memory_space<vmem>>) offsets(%arg11 : memref<128xi32, #tpu.memory_space<vmem>>) semaphore(%arg26 : memref<!tpu.dma_semaphore, #tpu.memory_space<semaphore_mem>>)
      %dma_start3A_92 = arith.constant 0 : i32
      %dma_start3A_93 = tpu.memref_slice %arg4[%dma_start3A_92] : memref<50000xf32, #tpu.memory_space<hbm>> -> memref<50000xf32, #tpu.memory_space<hbm>>
      tpu.enqueue_indirect_dma source(%dma_start3A_93 : memref<50000xf32, #tpu.memory_space<hbm>>) target(%arg14 : memref<128xf32, #tpu.memory_space<vmem>>) offsets(%arg12 : memref<128xi32, #tpu.memory_space<vmem>>) semaphore(%arg26 : memref<!tpu.dma_semaphore, #tpu.memory_space<semaphore_mem>>)
      %dma_start3A_94 = arith.constant 0 : i32
      %dma_start3A_95 = arith.constant 0 : i32
      %dma_start3A_96 = tpu.memref_slice %arg2[%dma_start3A_94, %dma_start3A_95] : memref<100000x32xf32, #tpu.memory_space<hbm>> -> memref<100000x32xf32, #tpu.memory_space<hbm>>
      tpu.enqueue_indirect_dma source(%dma_start3A_96 : memref<100000x32xf32, #tpu.memory_space<hbm>>) target(%arg15 : memref<128x32xf32, #tpu.memory_space<vmem>>) offsets(%arg11 : memref<128xi32, #tpu.memory_space<vmem>>) semaphore(%arg26 : memref<!tpu.dma_semaphore, #tpu.memory_space<semaphore_mem>>)
      %dma_wait3A = arith.constant 0 : i32
      %dma_wait3A_97 = tpu.memref_slice %arg3[%dma_wait3A] : memref<100000xf32, #tpu.memory_space<hbm>> -> memref<100000xf32, #tpu.memory_space<hbm>>
      tpu.wait_indirect_dma semaphore(%arg26 : memref<!tpu.dma_semaphore, #tpu.memory_space<semaphore_mem>>) src(%dma_wait3A_97 : memref<100000xf32, #tpu.memory_space<hbm>>) dst(%arg13 : memref<128xf32, #tpu.memory_space<vmem>>)
      %dma_wait3A_98 = arith.constant 0 : i32
      %dma_wait3A_99 = tpu.memref_slice %arg4[%dma_wait3A_98] : memref<50000xf32, #tpu.memory_space<hbm>> -> memref<50000xf32, #tpu.memory_space<hbm>>
      tpu.wait_indirect_dma semaphore(%arg26 : memref<!tpu.dma_semaphore, #tpu.memory_space<semaphore_mem>>) src(%dma_wait3A_99 : memref<50000xf32, #tpu.memory_space<hbm>>) dst(%arg14 : memref<128xf32, #tpu.memory_space<vmem>>)
      %dma_wait3A_100 = arith.constant 0 : i32
      %dma_wait3A_101 = arith.constant 0 : i32
      %dma_wait3A_102 = tpu.memref_slice %arg2[%dma_wait3A_100, %dma_wait3A_101] : memref<100000x32xf32, #tpu.memory_space<hbm>> -> memref<100000x32xf32, #tpu.memory_space<hbm>>
      tpu.wait_indirect_dma semaphore(%arg26 : memref<!tpu.dma_semaphore, #tpu.memory_space<semaphore_mem>>) src(%dma_wait3A_102 : memref<100000x32xf32, #tpu.memory_space<hbm>>) dst(%arg15 : memref<128x32xf32, #tpu.memory_space<vmem>>)
      %broadcast_in_dim3A = arith.constant 0 : i32
      %broadcast_in_dim3A_103 = vector.broadcast %broadcast_in_dim3A : i32 to vector<16xi32>
      %iota3A = tpu.iota {dimensions = array<i32: 0>} : vector<16xi32>
      %get3A_104 = arith.constant 0 : index
      %get3A_105 = tpu.vector_load %arg13[%get3A_104] {strides = array<i32>} : memref<128xf32, #tpu.memory_space<vmem>>, vector<16xf32>,
      %get3A_106 = arith.constant 0 : index
      %get3A_107 = tpu.vector_load %arg14[%get3A_106] {strides = array<i32>} : memref<128xf32, #tpu.memory_space<vmem>>, vector<16xf32>,
      %add3A_108 = arith.addf %get3A_105, %get3A_107 : vector<16xf32>
      %mul3A_109 = arith.constant 2.000000e-01 : f32
      %mul3A_110 = vector.broadcast %mul3A_109 : f32 to vector<16xf32>
      %mul3A_111 = arith.mulf %mul3A_110, %add3A_108 : vector<16xf32>
      %max3A = arith.maximumf %add3A_108, %mul3A_111 : vector<16xf32>
      %add3A_112 = arith.addf %get3A_7, %get3A_107 : vector<16xf32>
      %mul3A_113 = arith.constant 2.000000e-01 : f32
      %mul3A_114 = vector.broadcast %mul3A_113 : f32 to vector<16xf32>
      %mul3A_115 = arith.mulf %mul3A_114, %add3A_112 : vector<16xf32>
      %max3A_116 = arith.maximumf %add3A_112, %mul3A_115 : vector<16xf32>
      %sub3A = arith.subf %max3A, %max3A_116 : vector<16xf32>
      %exp3A = math.exp %sub3A : vector<16xf32>
      %add3A_117 = arith.constant 0 : i32
      %add3A_118 = vector.broadcast %add3A_117 : i32 to vector<16xi32>
      %add3A_119 = arith.addi %iota3A, %add3A_118 : vector<16xi32>
      tpu.vector_store_idx %arg16[%add3A_119, %broadcast_in_dim3A_103], %exp3A : memref<128x1xf32, #tpu.memory_space<vmem>>[vector<16xi32>, vector<16xi32>], vector<16xf32>,
      %get3A_120 = arith.constant 16 : index
      %get3A_121 = tpu.vector_load %arg13[%get3A_120] {strides = array<i32>} : memref<128xf32, #tpu.memory_space<vmem>>, vector<16xf32>,
      %get3A_122 = arith.constant 16 : index
      %get3A_123 = tpu.vector_load %arg14[%get3A_122] {strides = array<i32>} : memref<128xf32, #tpu.memory_space<vmem>>, vector<16xf32>,
      %add3A_124 = arith.addf %get3A_121, %get3A_123 : vector<16xf32>
      %mul3A_125 = arith.constant 2.000000e-01 : f32
      %mul3A_126 = vector.broadcast %mul3A_125 : f32 to vector<16xf32>
      %mul3A_127 = arith.mulf %mul3A_126, %add3A_124 : vector<16xf32>
      %max3A_128 = arith.maximumf %add3A_124, %mul3A_127 : vector<16xf32>
      %add3A_129 = arith.addf %get3A_7, %get3A_123 : vector<16xf32>
      %mul3A_130 = arith.constant 2.000000e-01 : f32
      %mul3A_131 = vector.broadcast %mul3A_130 : f32 to vector<16xf32>
      %mul3A_132 = arith.mulf %mul3A_131, %add3A_129 : vector<16xf32>
      %max3A_133 = arith.maximumf %add3A_129, %mul3A_132 : vector<16xf32>
      %sub3A_134 = arith.subf %max3A_128, %max3A_133 : vector<16xf32>
      %exp3A_135 = math.exp %sub3A_134 : vector<16xf32>
      %add3A_136 = arith.constant 16 : i32
      %add3A_137 = vector.broadcast %add3A_136 : i32 to vector<16xi32>
      %add3A_138 = arith.addi %iota3A, %add3A_137 : vector<16xi32>
      tpu.vector_store_idx %arg16[%add3A_138, %broadcast_in_dim3A_103], %exp3A_135 : memref<128x1xf32, #tpu.memory_space<vmem>>[vector<16xi32>, vector<16xi32>], vector<16xf32>,
      %get3A_139 = arith.constant 32 : index
      %get3A_140 = tpu.vector_load %arg13[%get3A_139] {strides = array<i32>} : memref<128xf32, #tpu.memory_space<vmem>>, vector<16xf32>,
      %get3A_141 = arith.constant 32 : index
      %get3A_142 = tpu.vector_load %arg14[%get3A_141] {strides = array<i32>} : memref<128xf32, #tpu.memory_space<vmem>>, vector<16xf32>,
      %add3A_143 = arith.addf %get3A_140, %get3A_142 : vector<16xf32>
      %mul3A_144 = arith.constant 2.000000e-01 : f32
      %mul3A_145 = vector.broadcast %mul3A_144 : f32 to vector<16xf32>
      %mul3A_146 = arith.mulf %mul3A_145, %add3A_143 : vector<16xf32>
      %max3A_147 = arith.maximumf %add3A_143, %mul3A_146 : vector<16xf32>
      %add3A_148 = arith.addf %get3A_7, %get3A_142 : vector<16xf32>
      %mul3A_149 = arith.constant 2.000000e-01 : f32
      %mul3A_150 = vector.broadcast %mul3A_149 : f32 to vector<16xf32>
      %mul3A_151 = arith.mulf %mul3A_150, %add3A_148 : vector<16xf32>
      %max3A_152 = arith.maximumf %add3A_148, %mul3A_151 : vector<16xf32>
      %sub3A_153 = arith.subf %max3A_147, %max3A_152 : vector<16xf32>
      %exp3A_154 = math.exp %sub3A_153 : vector<16xf32>
      %add3A_155 = arith.constant 32 : i32
      %add3A_156 = vector.broadcast %add3A_155 : i32 to vector<16xi32>
      %add3A_157 = arith.addi %iota3A, %add3A_156 : vector<16xi32>
      tpu.vector_store_idx %arg16[%add3A_157, %broadcast_in_dim3A_103], %exp3A_154 : memref<128x1xf32, #tpu.memory_space<vmem>>[vector<16xi32>, vector<16xi32>], vector<16xf32>,
      %get3A_158 = arith.constant 48 : index
      %get3A_159 = tpu.vector_load %arg13[%get3A_158] {strides = array<i32>} : memref<128xf32, #tpu.memory_space<vmem>>, vector<16xf32>,
      %get3A_160 = arith.constant 48 : index
      %get3A_161 = tpu.vector_load %arg14[%get3A_160] {strides = array<i32>} : memref<128xf32, #tpu.memory_space<vmem>>, vector<16xf32>,
      %add3A_162 = arith.addf %get3A_159, %get3A_161 : vector<16xf32>
      %mul3A_163 = arith.constant 2.000000e-01 : f32
      %mul3A_164 = vector.broadcast %mul3A_163 : f32 to vector<16xf32>
      %mul3A_165 = arith.mulf %mul3A_164, %add3A_162 : vector<16xf32>
      %max3A_166 = arith.maximumf %add3A_162, %mul3A_165 : vector<16xf32>
      %add3A_167 = arith.addf %get3A_7, %get3A_161 : vector<16xf32>
      %mul3A_168 = arith.constant 2.000000e-01 : f32
      %mul3A_169 = vector.broadcast %mul3A_168 : f32 to vector<16xf32>
      %mul3A_170 = arith.mulf %mul3A_169, %add3A_167 : vector<16xf32>
      %max3A_171 = arith.maximumf %add3A_167, %mul3A_170 : vector<16xf32>
      %sub3A_172 = arith.subf %max3A_166, %max3A_171 : vector<16xf32>
      %exp3A_173 = math.exp %sub3A_172 : vector<16xf32>
      %add3A_174 = arith.constant 48 : i32
      %add3A_175 = vector.broadcast %add3A_174 : i32 to vector<16xi32>
      %add3A_176 = arith.addi %iota3A, %add3A_175 : vector<16xi32>
      tpu.vector_store_idx %arg16[%add3A_176, %broadcast_in_dim3A_103], %exp3A_173 : memref<128x1xf32, #tpu.memory_space<vmem>>[vector<16xi32>, vector<16xi32>], vector<16xf32>,
      %get3A_177 = arith.constant 64 : index
      %get3A_178 = tpu.vector_load %arg13[%get3A_177] {strides = array<i32>} : memref<128xf32, #tpu.memory_space<vmem>>, vector<16xf32>,
      %get3A_179 = arith.constant 64 : index
      %get3A_180 = tpu.vector_load %arg14[%get3A_179] {strides = array<i32>} : memref<128xf32, #tpu.memory_space<vmem>>, vector<16xf32>,
      %add3A_181 = arith.addf %get3A_178, %get3A_180 : vector<16xf32>
      %mul3A_182 = arith.constant 2.000000e-01 : f32
      %mul3A_183 = vector.broadcast %mul3A_182 : f32 to vector<16xf32>
      %mul3A_184 = arith.mulf %mul3A_183, %add3A_181 : vector<16xf32>
      %max3A_185 = arith.maximumf %add3A_181, %mul3A_184 : vector<16xf32>
      %add3A_186 = arith.addf %get3A_7, %get3A_180 : vector<16xf32>
      %mul3A_187 = arith.constant 2.000000e-01 : f32
      %mul3A_188 = vector.broadcast %mul3A_187 : f32 to vector<16xf32>
      %mul3A_189 = arith.mulf %mul3A_188, %add3A_186 : vector<16xf32>
      %max3A_190 = arith.maximumf %add3A_186, %mul3A_189 : vector<16xf32>
      %sub3A_191 = arith.subf %max3A_185, %max3A_190 : vector<16xf32>
      %exp3A_192 = math.exp %sub3A_191 : vector<16xf32>
      %add3A_193 = arith.constant 64 : i32
      %add3A_194 = vector.broadcast %add3A_193 : i32 to vector<16xi32>
      %add3A_195 = arith.addi %iota3A, %add3A_194 : vector<16xi32>
      tpu.vector_store_idx %arg16[%add3A_195, %broadcast_in_dim3A_103], %exp3A_192 : memref<128x1xf32, #tpu.memory_space<vmem>>[vector<16xi32>, vector<16xi32>], vector<16xf32>,
      %get3A_196 = arith.constant 80 : index
      %get3A_197 = tpu.vector_load %arg13[%get3A_196] {strides = array<i32>} : memref<128xf32, #tpu.memory_space<vmem>>, vector<16xf32>,
      %get3A_198 = arith.constant 80 : index
      %get3A_199 = tpu.vector_load %arg14[%get3A_198] {strides = array<i32>} : memref<128xf32, #tpu.memory_space<vmem>>, vector<16xf32>,
      %add3A_200 = arith.addf %get3A_197, %get3A_199 : vector<16xf32>
      %mul3A_201 = arith.constant 2.000000e-01 : f32
      %mul3A_202 = vector.broadcast %mul3A_201 : f32 to vector<16xf32>
      %mul3A_203 = arith.mulf %mul3A_202, %add3A_200 : vector<16xf32>
      %max3A_204 = arith.maximumf %add3A_200, %mul3A_203 : vector<16xf32>
      %add3A_205 = arith.addf %get3A_7, %get3A_199 : vector<16xf32>
      %mul3A_206 = arith.constant 2.000000e-01 : f32
      %mul3A_207 = vector.broadcast %mul3A_206 : f32 to vector<16xf32>
      %mul3A_208 = arith.mulf %mul3A_207, %add3A_205 : vector<16xf32>
      %max3A_209 = arith.maximumf %add3A_205, %mul3A_208 : vector<16xf32>
      %sub3A_210 = arith.subf %max3A_204, %max3A_209 : vector<16xf32>
      %exp3A_211 = math.exp %sub3A_210 : vector<16xf32>
      %add3A_212 = arith.constant 80 : i32
      %add3A_213 = vector.broadcast %add3A_212 : i32 to vector<16xi32>
      %add3A_214 = arith.addi %iota3A, %add3A_213 : vector<16xi32>
      tpu.vector_store_idx %arg16[%add3A_214, %broadcast_in_dim3A_103], %exp3A_211 : memref<128x1xf32, #tpu.memory_space<vmem>>[vector<16xi32>, vector<16xi32>], vector<16xf32>,
      %get3A_215 = arith.constant 96 : index
      %get3A_216 = tpu.vector_load %arg13[%get3A_215] {strides = array<i32>} : memref<128xf32, #tpu.memory_space<vmem>>, vector<16xf32>,
      %get3A_217 = arith.constant 96 : index
      %get3A_218 = tpu.vector_load %arg14[%get3A_217] {strides = array<i32>} : memref<128xf32, #tpu.memory_space<vmem>>, vector<16xf32>,
      %add3A_219 = arith.addf %get3A_216, %get3A_218 : vector<16xf32>
      %mul3A_220 = arith.constant 2.000000e-01 : f32
      %mul3A_221 = vector.broadcast %mul3A_220 : f32 to vector<16xf32>
      %mul3A_222 = arith.mulf %mul3A_221, %add3A_219 : vector<16xf32>
      %max3A_223 = arith.maximumf %add3A_219, %mul3A_222 : vector<16xf32>
      %add3A_224 = arith.addf %get3A_7, %get3A_218 : vector<16xf32>
      %mul3A_225 = arith.constant 2.000000e-01 : f32
      %mul3A_226 = vector.broadcast %mul3A_225 : f32 to vector<16xf32>
      %mul3A_227 = arith.mulf %mul3A_226, %add3A_224 : vector<16xf32>
      %max3A_228 = arith.maximumf %add3A_224, %mul3A_227 : vector<16xf32>
      %sub3A_229 = arith.subf %max3A_223, %max3A_228 : vector<16xf32>
      %exp3A_230 = math.exp %sub3A_229 : vector<16xf32>
      %add3A_231 = arith.constant 96 : i32
      %add3A_232 = vector.broadcast %add3A_231 : i32 to vector<16xi32>
      %add3A_233 = arith.addi %iota3A, %add3A_232 : vector<16xi32>
      tpu.vector_store_idx %arg16[%add3A_233, %broadcast_in_dim3A_103], %exp3A_230 : memref<128x1xf32, #tpu.memory_space<vmem>>[vector<16xi32>, vector<16xi32>], vector<16xf32>,
      %get3A_234 = arith.constant 112 : index
      %get3A_235 = tpu.vector_load %arg13[%get3A_234] {strides = array<i32>} : memref<128xf32, #tpu.memory_space<vmem>>, vector<16xf32>,
      %get3A_236 = arith.constant 112 : index
      %get3A_237 = tpu.vector_load %arg14[%get3A_236] {strides = array<i32>} : memref<128xf32, #tpu.memory_space<vmem>>, vector<16xf32>,
      %add3A_238 = arith.addf %get3A_235, %get3A_237 : vector<16xf32>
      %mul3A_239 = arith.constant 2.000000e-01 : f32
      %mul3A_240 = vector.broadcast %mul3A_239 : f32 to vector<16xf32>
      %mul3A_241 = arith.mulf %mul3A_240, %add3A_238 : vector<16xf32>
      %max3A_242 = arith.maximumf %add3A_238, %mul3A_241 : vector<16xf32>
      %add3A_243 = arith.addf %get3A_7, %get3A_237 : vector<16xf32>
      %mul3A_244 = arith.constant 2.000000e-01 : f32
      %mul3A_245 = vector.broadcast %mul3A_244 : f32 to vector<16xf32>
      %mul3A_246 = arith.mulf %mul3A_245, %add3A_243 : vector<16xf32>
      %max3A_247 = arith.maximumf %add3A_243, %mul3A_246 : vector<16xf32>
      %sub3A_248 = arith.subf %max3A_242, %max3A_247 : vector<16xf32>
      %exp3A_249 = math.exp %sub3A_248 : vector<16xf32>
      %add3A_250 = arith.constant 112 : i32
      %add3A_251 = vector.broadcast %add3A_250 : i32 to vector<16xi32>
      %add3A_252 = arith.addi %iota3A, %add3A_251 : vector<16xi32>
      tpu.vector_store_idx %arg16[%add3A_252, %broadcast_in_dim3A_103], %exp3A_249 : memref<128x1xf32, #tpu.memory_space<vmem>>[vector<16xi32>, vector<16xi32>], vector<16xf32>,
      %scan3A = arith.constant 0 : i32
      %scan3A_253 = arith.constant 0 : i32
      %scan3A_254 = arith.constant 128 : i32
      %scan3A_255 = arith.addi %scan3A_253, %scan3A_254 : i32
      %scan3A_256 = arith.constant 1 : i32
      scf.for %scan3A_270 = %scan3A_253 to %scan3A_255 step %scan3A_256  : i32 {
        %broadcast_in_dim3A_271 = vector.broadcast %scan3A_270 : i32 to vector<16xi32>
        %broadcast_in_dim3A_272 = arith.constant 0 : i32
        %broadcast_in_dim3A_273 = vector.broadcast %broadcast_in_dim3A_272 : i32 to vector<16xi32>
        %gather3A = tpu.vector_load_idx %arg16[%broadcast_in_dim3A_271, %broadcast_in_dim3A_273] : memref<128x1xf32, #tpu.memory_space<vmem>>[vector<16xi32>, vector<16xi32>], vector<16xf32>,
        %get3A_274 = arith.index_cast %scan3A_270 : i32 to index
        %get3A_275 = arith.constant 0 : index
        %get3A_276 = tpu.vector_load %arg15[%get3A_274, %get3A_275] {strides = array<i32>} : memref<128x32xf32, #tpu.memory_space<vmem>>, vector<16xf32>,
        %mul3A_277 = arith.mulf %get3A_276, %gather3A : vector<16xf32>
        %swap3A_278 = arith.index_cast %scan3A_270 : i32 to index
        %swap3A_279 = arith.constant 0 : index
        %swap3A_280 = tpu.vector_load %arg15[%swap3A_278, %swap3A_279] {strides = array<i32>} : memref<128x32xf32, #tpu.memory_space<vmem>>, vector<16xf32>,
        tpu.vector_store %arg15[%swap3A_278, %swap3A_279], %mul3A_277 {strides = array<i32>} : memref<128x32xf32, #tpu.memory_space<vmem>>, vector<16xf32>,
        %get3A_281 = arith.index_cast %scan3A_270 : i32 to index
        %get3A_282 = arith.constant 16 : index
        %get3A_283 = tpu.vector_load %arg15[%get3A_281, %get3A_282] {strides = array<i32>} : memref<128x32xf32, #tpu.memory_space<vmem>>, vector<16xf32>,
        %mul3A_284 = arith.mulf %get3A_283, %gather3A : vector<16xf32>
        %swap3A_285 = arith.index_cast %scan3A_270 : i32 to index
        %swap3A_286 = arith.constant 16 : index
        %swap3A_287 = tpu.vector_load %arg15[%swap3A_285, %swap3A_286] {strides = array<i32>} : memref<128x32xf32, #tpu.memory_space<vmem>>, vector<16xf32>,
        tpu.vector_store %arg15[%swap3A_285, %swap3A_286], %mul3A_284 {strides = array<i32>} : memref<128x32xf32, #tpu.memory_space<vmem>>, vector<16xf32>,
      }
      %scan3A_257 = arith.constant 128 : i32
      %dma_start3A_258 = arith.constant 0 : i32
      %dma_start3A_259 = arith.constant 0 : i32
      %dma_start3A_260 = tpu.memref_slice %arg25[%dma_start3A_258, %dma_start3A_259] : memref<50000x1xf32, #tpu.memory_space<vmem_shared>> -> memref<50000x1xf32, #tpu.memory_space<vmem_shared>>
      tpu.enqueue_indirect_dma source(%arg16 : memref<128x1xf32, #tpu.memory_space<vmem>>) target(%dma_start3A_260 : memref<50000x1xf32, #tpu.memory_space<vmem_shared>>) offsets(%arg12 : memref<128xi32, #tpu.memory_space<vmem>>) semaphore(%arg27 : memref<!tpu.dma_semaphore, #tpu.memory_space<semaphore_mem>>) {add = true}
      %dma_start3A_261 = arith.constant 0 : i32
      %dma_start3A_262 = arith.constant 0 : i32
      %dma_start3A_263 = tpu.memref_slice %arg24[%dma_start3A_261, %dma_start3A_262] : memref<50000x32xf32, #tpu.memory_space<vmem_shared>> -> memref<50000x32xf32, #tpu.memory_space<vmem_shared>>
      tpu.enqueue_indirect_dma source(%arg15 : memref<128x32xf32, #tpu.memory_space<vmem>>) target(%dma_start3A_263 : memref<50000x32xf32, #tpu.memory_space<vmem_shared>>) offsets(%arg12 : memref<128xi32, #tpu.memory_space<vmem>>) semaphore(%arg27 : memref<!tpu.dma_semaphore, #tpu.memory_space<semaphore_mem>>) {add = true}
      %dma_wait3A_264 = arith.constant 0 : i32
      %dma_wait3A_265 = arith.constant 0 : i32
      %dma_wait3A_266 = tpu.memref_slice %arg25[%dma_wait3A_264, %dma_wait3A_265] : memref<50000x1xf32, #tpu.memory_space<vmem_shared>> -> memref<50000x1xf32, #tpu.memory_space<vmem_shared>>
      tpu.wait_indirect_dma semaphore(%arg27 : memref<!tpu.dma_semaphore, #tpu.memory_space<semaphore_mem>>) src(%arg16 : memref<128x1xf32, #tpu.memory_space<vmem>>) dst(%dma_wait3A_266 : memref<50000x1xf32, #tpu.memory_space<vmem_shared>>)
      %dma_wait3A_267 = arith.constant 0 : i32
      %dma_wait3A_268 = arith.constant 0 : i32
      %dma_wait3A_269 = tpu.memref_slice %arg24[%dma_wait3A_267, %dma_wait3A_268] : memref<50000x32xf32, #tpu.memory_space<vmem_shared>> -> memref<50000x32xf32, #tpu.memory_space<vmem_shared>>
      tpu.wait_indirect_dma semaphore(%arg27 : memref<!tpu.dma_semaphore, #tpu.memory_space<semaphore_mem>>) src(%arg15 : memref<128x32xf32, #tpu.memory_space<vmem>>) dst(%dma_wait3A_269 : memref<50000x32xf32, #tpu.memory_space<vmem_shared>>)
    }
    %while3A_21 = arith.constant 1 : i32
    scf.for %while3A_33 = %while3A_19 to %while3A_15 step %while3A_21  : i32 {
      %mul3A_34 = arith.constant 16 : i32
      %mul3A_35 = arith.muli %mul3A_34, %while3A_33 : i32
      %add3A_36 = arith.addi %arg1, %mul3A_35 : i32
      %mul3A_37 = arith.constant 128 : i32
      %mul3A_38 = arith.muli %add3A_36, %mul3A_37 : i32
      %add3A_39 = arith.constant 0 : i32
      %add3A_40 = arith.addi %mul3A_38, %add3A_39 : i32
      %run_scoped3A = arith.constant 0 : i32
      "tpu.region"() ({
        %run_scoped3A_270 = tpu.sem_alloc : memref<!tpu.dma_semaphore, #tpu.memory_space<semaphore_mem>>
        %dma_start3A_271 = tpu.memref_slice %arg6[%run_scoped3A, %add3A_40] : memref<2x800000xi32, #tpu.memory_space<hbm>> -> memref<1x128xi32, #tpu.memory_space<hbm>>
        %dma_start3A_272 = tpu.memref_squeeze %dma_start3A_271 : memref<1x128xi32, #tpu.memory_space<hbm>> -> memref<128xi32, #tpu.memory_space<hbm>>
        %dma_start3A_273 = tpu.memref_slice %arg6[%run_scoped3A, %add3A_40] : memref<2x800000xi32, #tpu.memory_space<hbm>> -> memref<1x128xi32, #tpu.memory_space<hbm>>
        %dma_start3A_274 = tpu.memref_squeeze %dma_start3A_273 : memref<1x128xi32, #tpu.memory_space<hbm>> -> memref<128xi32, #tpu.memory_space<hbm>>
        tpu.enqueue_dma source(%dma_start3A_274 : memref<128xi32, #tpu.memory_space<hbm>>) target(%arg11 : memref<128xi32, #tpu.memory_space<vmem>>) target_semaphore(%run_scoped3A_270 : memref<!tpu.dma_semaphore, #tpu.memory_space<semaphore_mem>>)
        %dma_wait3A_275 = tpu.memref_slice %arg6[%run_scoped3A, %add3A_40] : memref<2x800000xi32, #tpu.memory_space<hbm>> -> memref<1x128xi32, #tpu.memory_space<hbm>>
        %dma_wait3A_276 = tpu.memref_squeeze %dma_wait3A_275 : memref<1x128xi32, #tpu.memory_space<hbm>> -> memref<128xi32, #tpu.memory_space<hbm>>
        %dma_wait3A_277 = tpu.memref_slice %arg6[%run_scoped3A, %add3A_40] : memref<2x800000xi32, #tpu.memory_space<hbm>> -> memref<1x128xi32, #tpu.memory_space<hbm>>
        %dma_wait3A_278 = tpu.memref_squeeze %dma_wait3A_277 : memref<1x128xi32, #tpu.memory_space<hbm>> -> memref<128xi32, #tpu.memory_space<hbm>>
        tpu.wait_dma2 semaphore(%run_scoped3A_270 : memref<!tpu.dma_semaphore, #tpu.memory_space<semaphore_mem>>) src(%dma_wait3A_278 : memref<128xi32, #tpu.memory_space<hbm>>) dst(%arg11 : memref<128xi32, #tpu.memory_space<vmem>>)
        tpu.yield
      }) : () -> ()
      %add3A_41 = arith.constant 0 : i32
      %add3A_42 = arith.addi %mul3A_38, %add3A_41 : i32
      %run_scoped3A_43 = arith.constant 1 : i32
      "tpu.region"() ({
        %run_scoped3A_270 = tpu.sem_alloc : memref<!tpu.dma_semaphore, #tpu.memory_space<semaphore_mem>>
        %dma_start3A_271 = tpu.memref_slice %arg6[%run_scoped3A_43, %add3A_42] : memref<2x800000xi32, #tpu.memory_space<hbm>> -> memref<1x128xi32, #tpu.memory_space<hbm>>
        %dma_start3A_272 = tpu.memref_squeeze %dma_start3A_271 : memref<1x128xi32, #tpu.memory_space<hbm>> -> memref<128xi32, #tpu.memory_space<hbm>>
        %dma_start3A_273 = tpu.memref_slice %arg6[%run_scoped3A_43, %add3A_42] : memref<2x800000xi32, #tpu.memory_space<hbm>> -> memref<1x128xi32, #tpu.memory_space<hbm>>
        %dma_start3A_274 = tpu.memref_squeeze %dma_start3A_273 : memref<1x128xi32, #tpu.memory_space<hbm>> -> memref<128xi32, #tpu.memory_space<hbm>>
        tpu.enqueue_dma source(%dma_start3A_274 : memref<128xi32, #tpu.memory_space<hbm>>) target(%arg12 : memref<128xi32, #tpu.memory_space<vmem>>) target_semaphore(%run_scoped3A_270 : memref<!tpu.dma_semaphore, #tpu.memory_space<semaphore_mem>>)
        %dma_wait3A_275 = tpu.memref_slice %arg6[%run_scoped3A_43, %add3A_42] : memref<2x800000xi32, #tpu.memory_space<hbm>> -> memref<1x128xi32, #tpu.memory_space<hbm>>
        %dma_wait3A_276 = tpu.memref_squeeze %dma_wait3A_275 : memref<1x128xi32, #tpu.memory_space<hbm>> -> memref<128xi32, #tpu.memory_space<hbm>>
        %dma_wait3A_277 = tpu.memref_slice %arg6[%run_scoped3A_43, %add3A_42] : memref<2x800000xi32, #tpu.memory_space<hbm>> -> memref<1x128xi32, #tpu.memory_space<hbm>>
        %dma_wait3A_278 = tpu.memref_squeeze %dma_wait3A_277 : memref<1x128xi32, #tpu.memory_space<hbm>> -> memref<128xi32, #tpu.memory_space<hbm>>
        tpu.wait_dma2 semaphore(%run_scoped3A_270 : memref<!tpu.dma_semaphore, #tpu.memory_space<semaphore_mem>>) src(%dma_wait3A_278 : memref<128xi32, #tpu.memory_space<hbm>>) dst(%arg12 : memref<128xi32, #tpu.memory_space<vmem>>)
        tpu.yield
      }) : () -> ()
      %get3A_44 = arith.constant 0 : index
      %get3A_45 = tpu.vector_load %arg11[%get3A_44] {strides = array<i32>} : memref<128xi32, #tpu.memory_space<vmem>>, vector<16xi32>,
      %add3A_46 = vector.broadcast %mul3A_9 : i32 to vector<16xi32>
      %add3A_47 = arith.addi %get3A_45, %add3A_46 : vector<16xi32>
      %swap3A = arith.constant 0 : index
      %swap3A_48 = tpu.vector_load %arg11[%swap3A] {strides = array<i32>} : memref<128xi32, #tpu.memory_space<vmem>>, vector<16xi32>,
      tpu.vector_store %arg11[%swap3A], %add3A_47 {strides = array<i32>} : memref<128xi32, #tpu.memory_space<vmem>>, vector<16xi32>,
      %get3A_49 = arith.constant 16 : index
      %get3A_50 = tpu.vector_load %arg11[%get3A_49] {strides = array<i32>} : memref<128xi32, #tpu.memory_space<vmem>>, vector<16xi32>,
      %add3A_51 = vector.broadcast %mul3A_9 : i32 to vector<16xi32>
      %add3A_52 = arith.addi %get3A_50, %add3A_51 : vector<16xi32>
      %swap3A_53 = arith.constant 16 : index
      %swap3A_54 = tpu.vector_load %arg11[%swap3A_53] {strides = array<i32>} : memref<128xi32, #tpu.memory_space<vmem>>, vector<16xi32>,
      tpu.vector_store %arg11[%swap3A_53], %add3A_52 {strides = array<i32>} : memref<128xi32, #tpu.memory_space<vmem>>, vector<16xi32>,
      %get3A_55 = arith.constant 32 : index
      %get3A_56 = tpu.vector_load %arg11[%get3A_55] {strides = array<i32>} : memref<128xi32, #tpu.memory_space<vmem>>, vector<16xi32>,
      %add3A_57 = vector.broadcast %mul3A_9 : i32 to vector<16xi32>
      %add3A_58 = arith.addi %get3A_56, %add3A_57 : vector<16xi32>
      %swap3A_59 = arith.constant 32 : index
      %swap3A_60 = tpu.vector_load %arg11[%swap3A_59] {strides = array<i32>} : memref<128xi32, #tpu.memory_space<vmem>>, vector<16xi32>,
      tpu.vector_store %arg11[%swap3A_59], %add3A_58 {strides = array<i32>} : memref<128xi32, #tpu.memory_space<vmem>>, vector<16xi32>,
      %get3A_61 = arith.constant 48 : index
      %get3A_62 = tpu.vector_load %arg11[%get3A_61] {strides = array<i32>} : memref<128xi32, #tpu.memory_space<vmem>>, vector<16xi32>,
      %add3A_63 = vector.broadcast %mul3A_9 : i32 to vector<16xi32>
      %add3A_64 = arith.addi %get3A_62, %add3A_63 : vector<16xi32>
      %swap3A_65 = arith.constant 48 : index
      %swap3A_66 = tpu.vector_load %arg11[%swap3A_65] {strides = array<i32>} : memref<128xi32, #tpu.memory_space<vmem>>, vector<16xi32>,
      tpu.vector_store %arg11[%swap3A_65], %add3A_64 {strides = array<i32>} : memref<128xi32, #tpu.memory_space<vmem>>, vector<16xi32>,
      %get3A_67 = arith.constant 64 : index
      %get3A_68 = tpu.vector_load %arg11[%get3A_67] {strides = array<i32>} : memref<128xi32, #tpu.memory_space<vmem>>, vector<16xi32>,
      %add3A_69 = vector.broadcast %mul3A_9 : i32 to vector<16xi32>
      %add3A_70 = arith.addi %get3A_68, %add3A_69 : vector<16xi32>
      %swap3A_71 = arith.constant 64 : index
      %swap3A_72 = tpu.vector_load %arg11[%swap3A_71] {strides = array<i32>} : memref<128xi32, #tpu.memory_space<vmem>>, vector<16xi32>,
      tpu.vector_store %arg11[%swap3A_71], %add3A_70 {strides = array<i32>} : memref<128xi32, #tpu.memory_space<vmem>>, vector<16xi32>,
      %get3A_73 = arith.constant 80 : index
      %get3A_74 = tpu.vector_load %arg11[%get3A_73] {strides = array<i32>} : memref<128xi32, #tpu.memory_space<vmem>>, vector<16xi32>,
      %add3A_75 = vector.broadcast %mul3A_9 : i32 to vector<16xi32>
      %add3A_76 = arith.addi %get3A_74, %add3A_75 : vector<16xi32>
      %swap3A_77 = arith.constant 80 : index
      %swap3A_78 = tpu.vector_load %arg11[%swap3A_77] {strides = array<i32>} : memref<128xi32, #tpu.memory_space<vmem>>, vector<16xi32>,
      tpu.vector_store %arg11[%swap3A_77], %add3A_76 {strides = array<i32>} : memref<128xi32, #tpu.memory_space<vmem>>, vector<16xi32>,
      %get3A_79 = arith.constant 96 : index
      %get3A_80 = tpu.vector_load %arg11[%get3A_79] {strides = array<i32>} : memref<128xi32, #tpu.memory_space<vmem>>, vector<16xi32>,
      %add3A_81 = vector.broadcast %mul3A_9 : i32 to vector<16xi32>
      %add3A_82 = arith.addi %get3A_80, %add3A_81 : vector<16xi32>
      %swap3A_83 = arith.constant 96 : index
      %swap3A_84 = tpu.vector_load %arg11[%swap3A_83] {strides = array<i32>} : memref<128xi32, #tpu.memory_space<vmem>>, vector<16xi32>,
      tpu.vector_store %arg11[%swap3A_83], %add3A_82 {strides = array<i32>} : memref<128xi32, #tpu.memory_space<vmem>>, vector<16xi32>,
      %get3A_85 = arith.constant 112 : index
      %get3A_86 = tpu.vector_load %arg11[%get3A_85] {strides = array<i32>} : memref<128xi32, #tpu.memory_space<vmem>>, vector<16xi32>,
      %add3A_87 = vector.broadcast %mul3A_9 : i32 to vector<16xi32>
      %add3A_88 = arith.addi %get3A_86, %add3A_87 : vector<16xi32>
      %swap3A_89 = arith.constant 112 : index
      %swap3A_90 = tpu.vector_load %arg11[%swap3A_89] {strides = array<i32>} : memref<128xi32, #tpu.memory_space<vmem>>, vector<16xi32>,
      tpu.vector_store %arg11[%swap3A_89], %add3A_88 {strides = array<i32>} : memref<128xi32, #tpu.memory_space<vmem>>, vector<16xi32>,
      %dma_start3A = arith.constant 0 : i32
      %dma_start3A_91 = tpu.memref_slice %arg3[%dma_start3A] : memref<100000xf32, #tpu.memory_space<hbm>> -> memref<100000xf32, #tpu.memory_space<hbm>>
      tpu.enqueue_indirect_dma source(%dma_start3A_91 : memref<100000xf32, #tpu.memory_space<hbm>>) target(%arg13 : memref<128xf32, #tpu.memory_space<vmem>>) offsets(%arg11 : memref<128xi32, #tpu.memory_space<vmem>>) semaphore(%arg26 : memref<!tpu.dma_semaphore, #tpu.memory_space<semaphore_mem>>)
      %dma_start3A_92 = arith.constant 0 : i32
      %dma_start3A_93 = tpu.memref_slice %arg4[%dma_start3A_92] : memref<50000xf32, #tpu.memory_space<hbm>> -> memref<50000xf32, #tpu.memory_space<hbm>>
      tpu.enqueue_indirect_dma source(%dma_start3A_93 : memref<50000xf32, #tpu.memory_space<hbm>>) target(%arg14 : memref<128xf32, #tpu.memory_space<vmem>>) offsets(%arg12 : memref<128xi32, #tpu.memory_space<vmem>>) semaphore(%arg26 : memref<!tpu.dma_semaphore, #tpu.memory_space<semaphore_mem>>)
      %dma_start3A_94 = arith.constant 0 : i32
      %dma_start3A_95 = arith.constant 0 : i32
      %dma_start3A_96 = tpu.memref_slice %arg2[%dma_start3A_94, %dma_start3A_95] : memref<100000x32xf32, #tpu.memory_space<hbm>> -> memref<100000x32xf32, #tpu.memory_space<hbm>>
      tpu.enqueue_indirect_dma source(%dma_start3A_96 : memref<100000x32xf32, #tpu.memory_space<hbm>>) target(%arg15 : memref<128x32xf32, #tpu.memory_space<vmem>>) offsets(%arg11 : memref<128xi32, #tpu.memory_space<vmem>>) semaphore(%arg26 : memref<!tpu.dma_semaphore, #tpu.memory_space<semaphore_mem>>)
      %dma_wait3A = arith.constant 0 : i32
      %dma_wait3A_97 = tpu.memref_slice %arg3[%dma_wait3A] : memref<100000xf32, #tpu.memory_space<hbm>> -> memref<100000xf32, #tpu.memory_space<hbm>>
      tpu.wait_indirect_dma semaphore(%arg26 : memref<!tpu.dma_semaphore, #tpu.memory_space<semaphore_mem>>) src(%dma_wait3A_97 : memref<100000xf32, #tpu.memory_space<hbm>>) dst(%arg13 : memref<128xf32, #tpu.memory_space<vmem>>)
      %dma_wait3A_98 = arith.constant 0 : i32
      %dma_wait3A_99 = tpu.memref_slice %arg4[%dma_wait3A_98] : memref<50000xf32, #tpu.memory_space<hbm>> -> memref<50000xf32, #tpu.memory_space<hbm>>
      tpu.wait_indirect_dma semaphore(%arg26 : memref<!tpu.dma_semaphore, #tpu.memory_space<semaphore_mem>>) src(%dma_wait3A_99 : memref<50000xf32, #tpu.memory_space<hbm>>) dst(%arg14 : memref<128xf32, #tpu.memory_space<vmem>>)
      %dma_wait3A_100 = arith.constant 0 : i32
      %dma_wait3A_101 = arith.constant 0 : i32
      %dma_wait3A_102 = tpu.memref_slice %arg2[%dma_wait3A_100, %dma_wait3A_101] : memref<100000x32xf32, #tpu.memory_space<hbm>> -> memref<100000x32xf32, #tpu.memory_space<hbm>>
      tpu.wait_indirect_dma semaphore(%arg26 : memref<!tpu.dma_semaphore, #tpu.memory_space<semaphore_mem>>) src(%dma_wait3A_102 : memref<100000x32xf32, #tpu.memory_space<hbm>>) dst(%arg15 : memref<128x32xf32, #tpu.memory_space<vmem>>)
      %broadcast_in_dim3A = arith.constant 0 : i32
      %broadcast_in_dim3A_103 = vector.broadcast %broadcast_in_dim3A : i32 to vector<16xi32>
      %iota3A = tpu.iota {dimensions = array<i32: 0>} : vector<16xi32>
      %get3A_104 = arith.constant 0 : index
      %get3A_105 = tpu.vector_load %arg13[%get3A_104] {strides = array<i32>} : memref<128xf32, #tpu.memory_space<vmem>>, vector<16xf32>,
      %get3A_106 = arith.constant 0 : index
      %get3A_107 = tpu.vector_load %arg14[%get3A_106] {strides = array<i32>} : memref<128xf32, #tpu.memory_space<vmem>>, vector<16xf32>,
      %add3A_108 = arith.addf %get3A_105, %get3A_107 : vector<16xf32>
      %mul3A_109 = arith.constant 2.000000e-01 : f32
      %mul3A_110 = vector.broadcast %mul3A_109 : f32 to vector<16xf32>
      %mul3A_111 = arith.mulf %mul3A_110, %add3A_108 : vector<16xf32>
      %max3A = arith.maximumf %add3A_108, %mul3A_111 : vector<16xf32>
      %add3A_112 = arith.addf %get3A_7, %get3A_107 : vector<16xf32>
      %mul3A_113 = arith.constant 2.000000e-01 : f32
      %mul3A_114 = vector.broadcast %mul3A_113 : f32 to vector<16xf32>
      %mul3A_115 = arith.mulf %mul3A_114, %add3A_112 : vector<16xf32>
      %max3A_116 = arith.maximumf %add3A_112, %mul3A_115 : vector<16xf32>
      %sub3A = arith.subf %max3A, %max3A_116 : vector<16xf32>
      %exp3A = math.exp %sub3A : vector<16xf32>
      %add3A_117 = arith.constant 0 : i32
      %add3A_118 = vector.broadcast %add3A_117 : i32 to vector<16xi32>
      %add3A_119 = arith.addi %iota3A, %add3A_118 : vector<16xi32>
      tpu.vector_store_idx %arg16[%add3A_119, %broadcast_in_dim3A_103], %exp3A : memref<128x1xf32, #tpu.memory_space<vmem>>[vector<16xi32>, vector<16xi32>], vector<16xf32>,
      %get3A_120 = arith.constant 16 : index
      %get3A_121 = tpu.vector_load %arg13[%get3A_120] {strides = array<i32>} : memref<128xf32, #tpu.memory_space<vmem>>, vector<16xf32>,
      %get3A_122 = arith.constant 16 : index
      %get3A_123 = tpu.vector_load %arg14[%get3A_122] {strides = array<i32>} : memref<128xf32, #tpu.memory_space<vmem>>, vector<16xf32>,
      %add3A_124 = arith.addf %get3A_121, %get3A_123 : vector<16xf32>
      %mul3A_125 = arith.constant 2.000000e-01 : f32
      %mul3A_126 = vector.broadcast %mul3A_125 : f32 to vector<16xf32>
      %mul3A_127 = arith.mulf %mul3A_126, %add3A_124 : vector<16xf32>
      %max3A_128 = arith.maximumf %add3A_124, %mul3A_127 : vector<16xf32>
      %add3A_129 = arith.addf %get3A_7, %get3A_123 : vector<16xf32>
      %mul3A_130 = arith.constant 2.000000e-01 : f32
      %mul3A_131 = vector.broadcast %mul3A_130 : f32 to vector<16xf32>
      %mul3A_132 = arith.mulf %mul3A_131, %add3A_129 : vector<16xf32>
      %max3A_133 = arith.maximumf %add3A_129, %mul3A_132 : vector<16xf32>
      %sub3A_134 = arith.subf %max3A_128, %max3A_133 : vector<16xf32>
      %exp3A_135 = math.exp %sub3A_134 : vector<16xf32>
      %add3A_136 = arith.constant 16 : i32
      %add3A_137 = vector.broadcast %add3A_136 : i32 to vector<16xi32>
      %add3A_138 = arith.addi %iota3A, %add3A_137 : vector<16xi32>
      tpu.vector_store_idx %arg16[%add3A_138, %broadcast_in_dim3A_103], %exp3A_135 : memref<128x1xf32, #tpu.memory_space<vmem>>[vector<16xi32>, vector<16xi32>], vector<16xf32>,
      %get3A_139 = arith.constant 32 : index
      %get3A_140 = tpu.vector_load %arg13[%get3A_139] {strides = array<i32>} : memref<128xf32, #tpu.memory_space<vmem>>, vector<16xf32>,
      %get3A_141 = arith.constant 32 : index
      %get3A_142 = tpu.vector_load %arg14[%get3A_141] {strides = array<i32>} : memref<128xf32, #tpu.memory_space<vmem>>, vector<16xf32>,
      %add3A_143 = arith.addf %get3A_140, %get3A_142 : vector<16xf32>
      %mul3A_144 = arith.constant 2.000000e-01 : f32
      %mul3A_145 = vector.broadcast %mul3A_144 : f32 to vector<16xf32>
      %mul3A_146 = arith.mulf %mul3A_145, %add3A_143 : vector<16xf32>
      %max3A_147 = arith.maximumf %add3A_143, %mul3A_146 : vector<16xf32>
      %add3A_148 = arith.addf %get3A_7, %get3A_142 : vector<16xf32>
      %mul3A_149 = arith.constant 2.000000e-01 : f32
      %mul3A_150 = vector.broadcast %mul3A_149 : f32 to vector<16xf32>
      %mul3A_151 = arith.mulf %mul3A_150, %add3A_148 : vector<16xf32>
      %max3A_152 = arith.maximumf %add3A_148, %mul3A_151 : vector<16xf32>
      %sub3A_153 = arith.subf %max3A_147, %max3A_152 : vector<16xf32>
      %exp3A_154 = math.exp %sub3A_153 : vector<16xf32>
      %add3A_155 = arith.constant 32 : i32
      %add3A_156 = vector.broadcast %add3A_155 : i32 to vector<16xi32>
      %add3A_157 = arith.addi %iota3A, %add3A_156 : vector<16xi32>
      tpu.vector_store_idx %arg16[%add3A_157, %broadcast_in_dim3A_103], %exp3A_154 : memref<128x1xf32, #tpu.memory_space<vmem>>[vector<16xi32>, vector<16xi32>], vector<16xf32>,
      %get3A_158 = arith.constant 48 : index
      %get3A_159 = tpu.vector_load %arg13[%get3A_158] {strides = array<i32>} : memref<128xf32, #tpu.memory_space<vmem>>, vector<16xf32>,
      %get3A_160 = arith.constant 48 : index
      %get3A_161 = tpu.vector_load %arg14[%get3A_160] {strides = array<i32>} : memref<128xf32, #tpu.memory_space<vmem>>, vector<16xf32>,
      %add3A_162 = arith.addf %get3A_159, %get3A_161 : vector<16xf32>
      %mul3A_163 = arith.constant 2.000000e-01 : f32
      %mul3A_164 = vector.broadcast %mul3A_163 : f32 to vector<16xf32>
      %mul3A_165 = arith.mulf %mul3A_164, %add3A_162 : vector<16xf32>
      %max3A_166 = arith.maximumf %add3A_162, %mul3A_165 : vector<16xf32>
      %add3A_167 = arith.addf %get3A_7, %get3A_161 : vector<16xf32>
      %mul3A_168 = arith.constant 2.000000e-01 : f32
      %mul3A_169 = vector.broadcast %mul3A_168 : f32 to vector<16xf32>
      %mul3A_170 = arith.mulf %mul3A_169, %add3A_167 : vector<16xf32>
      %max3A_171 = arith.maximumf %add3A_167, %mul3A_170 : vector<16xf32>
      %sub3A_172 = arith.subf %max3A_166, %max3A_171 : vector<16xf32>
      %exp3A_173 = math.exp %sub3A_172 : vector<16xf32>
      %add3A_174 = arith.constant 48 : i32
      %add3A_175 = vector.broadcast %add3A_174 : i32 to vector<16xi32>
      %add3A_176 = arith.addi %iota3A, %add3A_175 : vector<16xi32>
      tpu.vector_store_idx %arg16[%add3A_176, %broadcast_in_dim3A_103], %exp3A_173 : memref<128x1xf32, #tpu.memory_space<vmem>>[vector<16xi32>, vector<16xi32>], vector<16xf32>,
      %get3A_177 = arith.constant 64 : index
      %get3A_178 = tpu.vector_load %arg13[%get3A_177] {strides = array<i32>} : memref<128xf32, #tpu.memory_space<vmem>>, vector<16xf32>,
      %get3A_179 = arith.constant 64 : index
      %get3A_180 = tpu.vector_load %arg14[%get3A_179] {strides = array<i32>} : memref<128xf32, #tpu.memory_space<vmem>>, vector<16xf32>,
      %add3A_181 = arith.addf %get3A_178, %get3A_180 : vector<16xf32>
      %mul3A_182 = arith.constant 2.000000e-01 : f32
      %mul3A_183 = vector.broadcast %mul3A_182 : f32 to vector<16xf32>
      %mul3A_184 = arith.mulf %mul3A_183, %add3A_181 : vector<16xf32>
      %max3A_185 = arith.maximumf %add3A_181, %mul3A_184 : vector<16xf32>
      %add3A_186 = arith.addf %get3A_7, %get3A_180 : vector<16xf32>
      %mul3A_187 = arith.constant 2.000000e-01 : f32
      %mul3A_188 = vector.broadcast %mul3A_187 : f32 to vector<16xf32>
      %mul3A_189 = arith.mulf %mul3A_188, %add3A_186 : vector<16xf32>
      %max3A_190 = arith.maximumf %add3A_186, %mul3A_189 : vector<16xf32>
      %sub3A_191 = arith.subf %max3A_185, %max3A_190 : vector<16xf32>
      %exp3A_192 = math.exp %sub3A_191 : vector<16xf32>
      %add3A_193 = arith.constant 64 : i32
      %add3A_194 = vector.broadcast %add3A_193 : i32 to vector<16xi32>
      %add3A_195 = arith.addi %iota3A, %add3A_194 : vector<16xi32>
      tpu.vector_store_idx %arg16[%add3A_195, %broadcast_in_dim3A_103], %exp3A_192 : memref<128x1xf32, #tpu.memory_space<vmem>>[vector<16xi32>, vector<16xi32>], vector<16xf32>,
      %get3A_196 = arith.constant 80 : index
      %get3A_197 = tpu.vector_load %arg13[%get3A_196] {strides = array<i32>} : memref<128xf32, #tpu.memory_space<vmem>>, vector<16xf32>,
      %get3A_198 = arith.constant 80 : index
      %get3A_199 = tpu.vector_load %arg14[%get3A_198] {strides = array<i32>} : memref<128xf32, #tpu.memory_space<vmem>>, vector<16xf32>,
      %add3A_200 = arith.addf %get3A_197, %get3A_199 : vector<16xf32>
      %mul3A_201 = arith.constant 2.000000e-01 : f32
      %mul3A_202 = vector.broadcast %mul3A_201 : f32 to vector<16xf32>
      %mul3A_203 = arith.mulf %mul3A_202, %add3A_200 : vector<16xf32>
      %max3A_204 = arith.maximumf %add3A_200, %mul3A_203 : vector<16xf32>
      %add3A_205 = arith.addf %get3A_7, %get3A_199 : vector<16xf32>
      %mul3A_206 = arith.constant 2.000000e-01 : f32
      %mul3A_207 = vector.broadcast %mul3A_206 : f32 to vector<16xf32>
      %mul3A_208 = arith.mulf %mul3A_207, %add3A_205 : vector<16xf32>
      %max3A_209 = arith.maximumf %add3A_205, %mul3A_208 : vector<16xf32>
      %sub3A_210 = arith.subf %max3A_204, %max3A_209 : vector<16xf32>
      %exp3A_211 = math.exp %sub3A_210 : vector<16xf32>
      %add3A_212 = arith.constant 80 : i32
      %add3A_213 = vector.broadcast %add3A_212 : i32 to vector<16xi32>
      %add3A_214 = arith.addi %iota3A, %add3A_213 : vector<16xi32>
      tpu.vector_store_idx %arg16[%add3A_214, %broadcast_in_dim3A_103], %exp3A_211 : memref<128x1xf32, #tpu.memory_space<vmem>>[vector<16xi32>, vector<16xi32>], vector<16xf32>,
      %get3A_215 = arith.constant 96 : index
      %get3A_216 = tpu.vector_load %arg13[%get3A_215] {strides = array<i32>} : memref<128xf32, #tpu.memory_space<vmem>>, vector<16xf32>,
      %get3A_217 = arith.constant 96 : index
      %get3A_218 = tpu.vector_load %arg14[%get3A_217] {strides = array<i32>} : memref<128xf32, #tpu.memory_space<vmem>>, vector<16xf32>,
      %add3A_219 = arith.addf %get3A_216, %get3A_218 : vector<16xf32>
      %mul3A_220 = arith.constant 2.000000e-01 : f32
      %mul3A_221 = vector.broadcast %mul3A_220 : f32 to vector<16xf32>
      %mul3A_222 = arith.mulf %mul3A_221, %add3A_219 : vector<16xf32>
      %max3A_223 = arith.maximumf %add3A_219, %mul3A_222 : vector<16xf32>
      %add3A_224 = arith.addf %get3A_7, %get3A_218 : vector<16xf32>
      %mul3A_225 = arith.constant 2.000000e-01 : f32
      %mul3A_226 = vector.broadcast %mul3A_225 : f32 to vector<16xf32>
      %mul3A_227 = arith.mulf %mul3A_226, %add3A_224 : vector<16xf32>
      %max3A_228 = arith.maximumf %add3A_224, %mul3A_227 : vector<16xf32>
      %sub3A_229 = arith.subf %max3A_223, %max3A_228 : vector<16xf32>
      %exp3A_230 = math.exp %sub3A_229 : vector<16xf32>
      %add3A_231 = arith.constant 96 : i32
      %add3A_232 = vector.broadcast %add3A_231 : i32 to vector<16xi32>
      %add3A_233 = arith.addi %iota3A, %add3A_232 : vector<16xi32>
      tpu.vector_store_idx %arg16[%add3A_233, %broadcast_in_dim3A_103], %exp3A_230 : memref<128x1xf32, #tpu.memory_space<vmem>>[vector<16xi32>, vector<16xi32>], vector<16xf32>,
      %get3A_234 = arith.constant 112 : index
      %get3A_235 = tpu.vector_load %arg13[%get3A_234] {strides = array<i32>} : memref<128xf32, #tpu.memory_space<vmem>>, vector<16xf32>,
      %get3A_236 = arith.constant 112 : index
      %get3A_237 = tpu.vector_load %arg14[%get3A_236] {strides = array<i32>} : memref<128xf32, #tpu.memory_space<vmem>>, vector<16xf32>,
      %add3A_238 = arith.addf %get3A_235, %get3A_237 : vector<16xf32>
      %mul3A_239 = arith.constant 2.000000e-01 : f32
      %mul3A_240 = vector.broadcast %mul3A_239 : f32 to vector<16xf32>
      %mul3A_241 = arith.mulf %mul3A_240, %add3A_238 : vector<16xf32>
      %max3A_242 = arith.maximumf %add3A_238, %mul3A_241 : vector<16xf32>
      %add3A_243 = arith.addf %get3A_7, %get3A_237 : vector<16xf32>
      %mul3A_244 = arith.constant 2.000000e-01 : f32
      %mul3A_245 = vector.broadcast %mul3A_244 : f32 to vector<16xf32>
      %mul3A_246 = arith.mulf %mul3A_245, %add3A_243 : vector<16xf32>
      %max3A_247 = arith.maximumf %add3A_243, %mul3A_246 : vector<16xf32>
      %sub3A_248 = arith.subf %max3A_242, %max3A_247 : vector<16xf32>
      %exp3A_249 = math.exp %sub3A_248 : vector<16xf32>
      %add3A_250 = arith.constant 112 : i32
      %add3A_251 = vector.broadcast %add3A_250 : i32 to vector<16xi32>
      %add3A_252 = arith.addi %iota3A, %add3A_251 : vector<16xi32>
      tpu.vector_store_idx %arg16[%add3A_252, %broadcast_in_dim3A_103], %exp3A_249 : memref<128x1xf32, #tpu.memory_space<vmem>>[vector<16xi32>, vector<16xi32>], vector<16xf32>,
      %scan3A = arith.constant 0 : i32
      %scan3A_253 = arith.constant 0 : i32
      %scan3A_254 = arith.constant 128 : i32
      %scan3A_255 = arith.addi %scan3A_253, %scan3A_254 : i32
      %scan3A_256 = arith.constant 1 : i32
      scf.for %scan3A_270 = %scan3A_253 to %scan3A_255 step %scan3A_256  : i32 {
        %broadcast_in_dim3A_271 = vector.broadcast %scan3A_270 : i32 to vector<16xi32>
        %broadcast_in_dim3A_272 = arith.constant 0 : i32
        %broadcast_in_dim3A_273 = vector.broadcast %broadcast_in_dim3A_272 : i32 to vector<16xi32>
        %gather3A = tpu.vector_load_idx %arg16[%broadcast_in_dim3A_271, %broadcast_in_dim3A_273] : memref<128x1xf32, #tpu.memory_space<vmem>>[vector<16xi32>, vector<16xi32>], vector<16xf32>,
        %get3A_274 = arith.index_cast %scan3A_270 : i32 to index
        %get3A_275 = arith.constant 0 : index
        %get3A_276 = tpu.vector_load %arg15[%get3A_274, %get3A_275] {strides = array<i32>} : memref<128x32xf32, #tpu.memory_space<vmem>>, vector<16xf32>,
        %mul3A_277 = arith.mulf %get3A_276, %gather3A : vector<16xf32>
        %swap3A_278 = arith.index_cast %scan3A_270 : i32 to index
        %swap3A_279 = arith.constant 0 : index
        %swap3A_280 = tpu.vector_load %arg15[%swap3A_278, %swap3A_279] {strides = array<i32>} : memref<128x32xf32, #tpu.memory_space<vmem>>, vector<16xf32>,
        tpu.vector_store %arg15[%swap3A_278, %swap3A_279], %mul3A_277 {strides = array<i32>} : memref<128x32xf32, #tpu.memory_space<vmem>>, vector<16xf32>,
        %get3A_281 = arith.index_cast %scan3A_270 : i32 to index
        %get3A_282 = arith.constant 16 : index
        %get3A_283 = tpu.vector_load %arg15[%get3A_281, %get3A_282] {strides = array<i32>} : memref<128x32xf32, #tpu.memory_space<vmem>>, vector<16xf32>,
        %mul3A_284 = arith.mulf %get3A_283, %gather3A : vector<16xf32>
        %swap3A_285 = arith.index_cast %scan3A_270 : i32 to index
        %swap3A_286 = arith.constant 16 : index
        %swap3A_287 = tpu.vector_load %arg15[%swap3A_285, %swap3A_286] {strides = array<i32>} : memref<128x32xf32, #tpu.memory_space<vmem>>, vector<16xf32>,
        tpu.vector_store %arg15[%swap3A_285, %swap3A_286], %mul3A_284 {strides = array<i32>} : memref<128x32xf32, #tpu.memory_space<vmem>>, vector<16xf32>,
      }
      %scan3A_257 = arith.constant 128 : i32
      %dma_start3A_258 = arith.constant 0 : i32
      %dma_start3A_259 = arith.constant 0 : i32
      %dma_start3A_260 = tpu.memref_slice %arg25[%dma_start3A_258, %dma_start3A_259] : memref<50000x1xf32, #tpu.memory_space<vmem_shared>> -> memref<50000x1xf32, #tpu.memory_space<vmem_shared>>
      tpu.enqueue_indirect_dma source(%arg16 : memref<128x1xf32, #tpu.memory_space<vmem>>) target(%dma_start3A_260 : memref<50000x1xf32, #tpu.memory_space<vmem_shared>>) offsets(%arg12 : memref<128xi32, #tpu.memory_space<vmem>>) semaphore(%arg27 : memref<!tpu.dma_semaphore, #tpu.memory_space<semaphore_mem>>) {add = true}
      %dma_start3A_261 = arith.constant 0 : i32
      %dma_start3A_262 = arith.constant 0 : i32
      %dma_start3A_263 = tpu.memref_slice %arg24[%dma_start3A_261, %dma_start3A_262] : memref<50000x32xf32, #tpu.memory_space<vmem_shared>> -> memref<50000x32xf32, #tpu.memory_space<vmem_shared>>
      tpu.enqueue_indirect_dma source(%arg15 : memref<128x32xf32, #tpu.memory_space<vmem>>) target(%dma_start3A_263 : memref<50000x32xf32, #tpu.memory_space<vmem_shared>>) offsets(%arg12 : memref<128xi32, #tpu.memory_space<vmem>>) semaphore(%arg27 : memref<!tpu.dma_semaphore, #tpu.memory_space<semaphore_mem>>) {add = true}
      %dma_wait3A_264 = arith.constant 0 : i32
      %dma_wait3A_265 = arith.constant 0 : i32
      %dma_wait3A_266 = tpu.memref_slice %arg25[%dma_wait3A_264, %dma_wait3A_265] : memref<50000x1xf32, #tpu.memory_space<vmem_shared>> -> memref<50000x1xf32, #tpu.memory_space<vmem_shared>>
      tpu.wait_indirect_dma semaphore(%arg27 : memref<!tpu.dma_semaphore, #tpu.memory_space<semaphore_mem>>) src(%arg16 : memref<128x1xf32, #tpu.memory_space<vmem>>) dst(%dma_wait3A_266 : memref<50000x1xf32, #tpu.memory_space<vmem_shared>>)
      %dma_wait3A_267 = arith.constant 0 : i32
      %dma_wait3A_268 = arith.constant 0 : i32
      %dma_wait3A_269 = tpu.memref_slice %arg24[%dma_wait3A_267, %dma_wait3A_268] : memref<50000x32xf32, #tpu.memory_space<vmem_shared>> -> memref<50000x32xf32, #tpu.memory_space<vmem_shared>>
      tpu.wait_indirect_dma semaphore(%arg27 : memref<!tpu.dma_semaphore, #tpu.memory_space<semaphore_mem>>) src(%arg15 : memref<128x32xf32, #tpu.memory_space<vmem>>) dst(%dma_wait3A_269 : memref<50000x32xf32, #tpu.memory_space<vmem_shared>>)
    }
    %barrier3A_22 = arith.constant 0 : index
    tpu.barrier barrier_id(%barrier3A_22)
    %add3A = arith.addi %mul3A_9, %mul3A_0 : i32
    %lt3A_23 = arith.constant 15 : i32
    %lt3A_24 = arith.cmpi slt, %arg1, %lt3A_23 : i32
    %convert_element_type3A_25 = arith.extui %lt3A_24 : i1 to i32
    %cond3A_26 = arith.constant 0 : i32
    %cond3A_27 = arith.cmpi ne, %convert_element_type3A_25, %cond3A_26 : i32
    scf.if %cond3A_27 {
      "tpu.region"() ({
        %run_scoped3A = tpu.sem_alloc : memref<!tpu.dma_semaphore, #tpu.memory_space<semaphore_mem>>
        %dma_start3A = arith.constant 0 : i32
        %dma_start3A_33 = tpu.memref_slice %arg9[%add3A, %dma_start3A] : memref<100000x32xf32, #tpu.memory_space<hbm>> -> memref<3128x32xf32, #tpu.memory_space<hbm>>
        %dma_start3A_34 = arith.constant 0 : i32
        %dma_start3A_35 = tpu.memref_slice %arg24[%mul3A_0, %dma_start3A_34] : memref<50000x32xf32, #tpu.memory_space<vmem_shared>> -> memref<3128x32xf32, #tpu.memory_space<vmem_shared>>
        tpu.enqueue_dma source(%dma_start3A_35 : memref<3128x32xf32, #tpu.memory_space<vmem_shared>>) target(%dma_start3A_33 : memref<3128x32xf32, #tpu.memory_space<hbm>>) target_semaphore(%run_scoped3A : memref<!tpu.dma_semaphore, #tpu.memory_space<semaphore_mem>>)
        %dma_wait3A = arith.constant 0 : i32
        %dma_wait3A_36 = tpu.memref_slice %arg9[%add3A, %dma_wait3A] : memref<100000x32xf32, #tpu.memory_space<hbm>> -> memref<3128x32xf32, #tpu.memory_space<hbm>>
        %dma_wait3A_37 = arith.constant 0 : i32
        %dma_wait3A_38 = tpu.memref_slice %arg24[%mul3A_0, %dma_wait3A_37] : memref<50000x32xf32, #tpu.memory_space<vmem_shared>> -> memref<3128x32xf32, #tpu.memory_space<vmem_shared>>
        tpu.wait_dma2 semaphore(%run_scoped3A : memref<!tpu.dma_semaphore, #tpu.memory_space<semaphore_mem>>) src(%dma_wait3A_38 : memref<3128x32xf32, #tpu.memory_space<vmem_shared>>) dst(%dma_wait3A_36 : memref<3128x32xf32, #tpu.memory_space<hbm>>)
        tpu.yield
      }) : () -> ()
      "tpu.region"() ({
        %run_scoped3A = tpu.sem_alloc : memref<!tpu.dma_semaphore, #tpu.memory_space<semaphore_mem>>
        %dma_start3A = arith.constant 0 : i32
        %dma_start3A_33 = tpu.memref_slice %arg10[%add3A, %dma_start3A] : memref<100000x1xf32, #tpu.memory_space<hbm>> -> memref<3128x1xf32, #tpu.memory_space<hbm>>
        %dma_start3A_34 = arith.constant 0 : i32
        %dma_start3A_35 = tpu.memref_slice %arg25[%mul3A_0, %dma_start3A_34] : memref<50000x1xf32, #tpu.memory_space<vmem_shared>> -> memref<3128x1xf32, #tpu.memory_space<vmem_shared>>
        tpu.enqueue_dma source(%dma_start3A_35 : memref<3128x1xf32, #tpu.memory_space<vmem_shared>>) target(%dma_start3A_33 : memref<3128x1xf32, #tpu.memory_space<hbm>>) target_semaphore(%run_scoped3A : memref<!tpu.dma_semaphore, #tpu.memory_space<semaphore_mem>>)
        %dma_wait3A = arith.constant 0 : i32
        %dma_wait3A_36 = tpu.memref_slice %arg10[%add3A, %dma_wait3A] : memref<100000x1xf32, #tpu.memory_space<hbm>> -> memref<3128x1xf32, #tpu.memory_space<hbm>>
        %dma_wait3A_37 = arith.constant 0 : i32
        %dma_wait3A_38 = tpu.memref_slice %arg25[%mul3A_0, %dma_wait3A_37] : memref<50000x1xf32, #tpu.memory_space<vmem_shared>> -> memref<3128x1xf32, #tpu.memory_space<vmem_shared>>
        tpu.wait_dma2 semaphore(%run_scoped3A : memref<!tpu.dma_semaphore, #tpu.memory_space<semaphore_mem>>) src(%dma_wait3A_38 : memref<3128x1xf32, #tpu.memory_space<vmem_shared>>) dst(%dma_wait3A_36 : memref<3128x1xf32, #tpu.memory_space<hbm>>)
        tpu.yield
      }) : () -> ()
    } else {
    }
    %eq3A_28 = arith.constant 15 : i32
    %eq3A_29 = arith.cmpi eq, %arg1, %eq3A_28 : i32
    %convert_element_type3A_30 = arith.extui %eq3A_29 : i1 to i32
    %cond3A_31 = arith.constant 0 : i32
    %cond3A_32 = arith.cmpi ne, %convert_element_type3A_30, %cond3A_31 : i32
    scf.if %cond3A_32 {
      "tpu.region"() ({
        %run_scoped3A = tpu.sem_alloc : memref<!tpu.dma_semaphore, #tpu.memory_space<semaphore_mem>>
        %dma_start3A = arith.constant 0 : i32
        %dma_start3A_33 = tpu.memref_slice %arg9[%add3A, %dma_start3A] : memref<100000x32xf32, #tpu.memory_space<hbm>> -> memref<3080x32xf32, #tpu.memory_space<hbm>>
        %dma_start3A_34 = arith.constant 0 : i32
        %dma_start3A_35 = tpu.memref_slice %arg24[%mul3A_0, %dma_start3A_34] : memref<50000x32xf32, #tpu.memory_space<vmem_shared>> -> memref<3080x32xf32, #tpu.memory_space<vmem_shared>>
        tpu.enqueue_dma source(%dma_start3A_35 : memref<3080x32xf32, #tpu.memory_space<vmem_shared>>) target(%dma_start3A_33 : memref<3080x32xf32, #tpu.memory_space<hbm>>) target_semaphore(%run_scoped3A : memref<!tpu.dma_semaphore, #tpu.memory_space<semaphore_mem>>)
        %dma_wait3A = arith.constant 0 : i32
        %dma_wait3A_36 = tpu.memref_slice %arg9[%add3A, %dma_wait3A] : memref<100000x32xf32, #tpu.memory_space<hbm>> -> memref<3080x32xf32, #tpu.memory_space<hbm>>
        %dma_wait3A_37 = arith.constant 0 : i32
        %dma_wait3A_38 = tpu.memref_slice %arg24[%mul3A_0, %dma_wait3A_37] : memref<50000x32xf32, #tpu.memory_space<vmem_shared>> -> memref<3080x32xf32, #tpu.memory_space<vmem_shared>>
        tpu.wait_dma2 semaphore(%run_scoped3A : memref<!tpu.dma_semaphore, #tpu.memory_space<semaphore_mem>>) src(%dma_wait3A_38 : memref<3080x32xf32, #tpu.memory_space<vmem_shared>>) dst(%dma_wait3A_36 : memref<3080x32xf32, #tpu.memory_space<hbm>>)
        tpu.yield
      }) : () -> ()
      "tpu.region"() ({
        %run_scoped3A = tpu.sem_alloc : memref<!tpu.dma_semaphore, #tpu.memory_space<semaphore_mem>>
        %dma_start3A = arith.constant 0 : i32
        %dma_start3A_33 = tpu.memref_slice %arg10[%add3A, %dma_start3A] : memref<100000x1xf32, #tpu.memory_space<hbm>> -> memref<3080x1xf32, #tpu.memory_space<hbm>>
        %dma_start3A_34 = arith.constant 0 : i32
        %dma_start3A_35 = tpu.memref_slice %arg25[%mul3A_0, %dma_start3A_34] : memref<50000x1xf32, #tpu.memory_space<vmem_shared>> -> memref<3080x1xf32, #tpu.memory_space<vmem_shared>>
        tpu.enqueue_dma source(%dma_start3A_35 : memref<3080x1xf32, #tpu.memory_space<vmem_shared>>) target(%dma_start3A_33 : memref<3080x1xf32, #tpu.memory_space<hbm>>) target_semaphore(%run_scoped3A : memref<!tpu.dma_semaphore, #tpu.memory_space<semaphore_mem>>)
        %dma_wait3A = arith.constant 0 : i32
        %dma_wait3A_36 = tpu.memref_slice %arg10[%add3A, %dma_wait3A] : memref<100000x1xf32, #tpu.memory_space<hbm>> -> memref<3080x1xf32, #tpu.memory_space<hbm>>
        %dma_wait3A_37 = arith.constant 0 : i32
        %dma_wait3A_38 = tpu.memref_slice %arg25[%mul3A_0, %dma_wait3A_37] : memref<50000x1xf32, #tpu.memory_space<vmem_shared>> -> memref<3080x1xf32, #tpu.memory_space<vmem_shared>>
        tpu.wait_dma2 semaphore(%run_scoped3A : memref<!tpu.dma_semaphore, #tpu.memory_space<semaphore_mem>>) src(%dma_wait3A_38 : memref<3080x1xf32, #tpu.memory_space<vmem_shared>>) dst(%dma_wait3A_36 : memref<3080x1xf32, #tpu.memory_space<hbm>>)
        tpu.yield
      }) : () -> ()
    } else {
    }
    return
  }
}

</mosaic_0001>

<sc_bundles>
// kernel: _sc_edge_call.3.cloned.1.call-start
scs
__scs_entry_jumppad:
0x0: {  	(pc) =	sbr.rel $0x88, $3  }
0x1: {  	(tag) =	ssettag $0x0;
	lr =	simm.s32 $0x1  }
0x2: {  	[smem:$0x3F9A] =	sst lr;
	_ =	strace $0xD0000000  }
0x3: {  	_ = 	snop  }
0x4: {  	_ = 	snop  }
0x5: {  	_ = 	snop  }
0x6: {  	_ = 	snop  }
0x7: {  	_ = 	snop  }
__scs_overlays_trampoline_lowered:
0x8: {  	[smem:$0x3FA9] =	sst s0  }
0x9: {  	[smem:$0x3FAA] =	sst s1  }
0xa: {  	[smem:$0x3FAB] =	sst s2  }
0xb: {  	[smem:$0x3FAC] =	sst s3  }
0xc: {  	[smem:$0x3FAD] =	sst s4  }
0xd: {  	[smem:$0x3FAE] =	sst s5  }
0xe: {  	[smem:$0x3FAF] =	sst s6  }
0xf: {  	[smem:$0x3FB0] =	sst s7  }
0x10: {  	[smem:$0x3FB1] =	sst s8  }
0x11: {  	[smem:$0x3FB2] =	sst s9;
	s0 =	simm.s32 @!p0 $0x0  }
0x12: {  	s1 =	sld [smem:$0x3F98];
	s0 =	simm.s32 @p0 $0x1  }
0x13: {  	[smem:$0x3FB3] =	sst s0;
	s0 =	simm.s32 @!p1 $0x0  }
0x14: {  	s2 =	sld [smem:$0x3F97];
	s0 =	simm.s32 @p1 $0x1  }
0x15: {  	[smem:$0x3FB4] =	sst s0;
	s0 =	simm.s32 @!p2 $0x0  }
0x16: {  	s3 =	sld [smem:$0x3FDB];
	s0 =	simm.s32 @p2 $0x1  }
0x17: {  	s4 =	simm.s32 $0x1BF5;
	[smem:$0x3FB6] =	sst s0  }
0x18: {  	s0 =	sld [smem:$0x3F99];
	_ =	swait.ge [sflag:s4], $0x0  }
0x19: {  	s7 =	sld [smem:$0x3F9A]  }
0x1a: {  	s8 =	sadd.s32 $0xFFFFE003, lr  }
0x1b: {  	s9 =	sadd.s32 $0xFFFFFEF7, lr;
	s5 =	simm.s32 $0xFFFFFFFF;
	p2 =	slt.u32 s8, $0xFFFFF086  }
0x1c: {  	p1 =	slt.u32 s9, $0xF7A;
	s5 =	simm.s32 @!p2 $0x0  }
0x1d: {  	s5 =	simm.s32 @p1 $0x1;
	p0 =	seq.s32 s7, s2  }
0x1e: {  	s7 =	smul.u32 @!p0 $0xF7A, s2;
	p2 =	seq.s32 @!p0 s5, $0x0  }
0x1f: {  	s9 =	smul.u32 $0xF7A, s1;
	s8 =	simm.s32 @!p0 $0x1BF5;
	p2 =	por !p2, p0  }
0x20: {  	[sflag:s8] =	ssyncset.s32 @!p0 $0xFFFFF086;
	s6 =	sadd.s32 @!p0 s3, s7;
	s7 =	simm.s32 @!p0 $0x108  }
0x21: {  	s3 =	sadd.s32 s3, s9;
	s6 =	sadd.s32 @!p0 $0x88, s6;
	s7 =	simm.s32 @p2 $0x1082  }
0x22: {  	[simem:s7], [sflag:s8] =	dma.local @!p0 [hbm:s6], $0xF7A  }
0x23: {  	s9 =	sor.u32 $0xD0000000, s2;
	s6 =	simm.s32 $0x108;
	_ =	swait.ge @!p0 [sflag:s8], $0x0  }
0x24: {  	s3 =	sadd.s32 $0x88, s3;
	s6 =	simm.s32 @!p1 $0x1082;
	[sflag:s4] =	ssyncset.s32 $0xFFFFF086  }
0x25: {  	[simem:s6], [sflag:s4] =	dma.local [hbm:s3], $0xF7A  }
0x26: {  	[smem:$0x3F9A] =	sst s1;
	(tag) =	ssettag s2;
	_ =	strace s9  }
0x27: {  	s1 =	sld [smem:$0x3FAA]  }
0x28: {  	s2 =	sld [smem:$0x3FAB]  }
0x29: {  	s4 =	sld [smem:$0x3FAD]  }
0x2a: {  	p0 =	seq.s32 s5, $0x0;
	s5 =	sld [smem:$0x3FAE]  }
0x2b: {  	s6 =	sld [smem:$0x3FAF]  }
0x2c: {  	s7 =	sld [smem:$0x3FB0]  }
0x2d: {  	s3 =	simm.s32 $0x108;
	s8 =	sld [smem:$0x3FB1]  }
0x2e: {  	s3 =	simm.s32 @!p0 $0x1082;
	s9 =	sld [smem:$0x3FB2]  }
0x2f: {  	lr =	sadd.s32 s0, s3;
	s0 =	sld [smem:$0x3FA9]  }
0x30: {  	s3 =	sld [smem:$0x3FAC]  }
0x31: {  	[smem:$0x3FB5] =	sst s10  }
0x32: {  	s10 =	sld [smem:$0x3FB3];
	_ =	sdelay $0x3  }
0x33: {  	p0 =	seq.s32 s10, $0x1;
	s10 =	sld [smem:$0x3FB5];
	_ =	sdelay $0x3  }
0x34: {  	[smem:$0x3FB5] =	sst s10  }
0x35: {  	s10 =	sld [smem:$0x3FB4];
	_ =	sdelay $0x3  }
0x36: {  	p1 =	seq.s32 s10, $0x1;
	s10 =	sld [smem:$0x3FB5];
	_ =	sdelay $0x3  }
0x37: {  	[smem:$0x3FB5] =	sst s10  }
0x38: {  	s10 =	sld [smem:$0x3FB6]  }
0x39: {  	_ = 	snop;
	(pc) =	sbr.ind lr, $3  }
0x3a: {  	_ = 	snop  }
0x3b: {  	_ = 	snop  }
0x3c: {  	p2 =	seq.s32 s10, $0x1;
	s10 =	sld [smem:$0x3FB5]  }
0x3d: {  	_ =	shalt  }
0x3e: {  	_ =	shalt  }
0x3f: {  	_ =	shalt  }
0x40: {  	_ =	shalt  }
0x41: {  	_ =	shalt  }
0x42: {  	_ =	shalt  }
0x43: {  	_ =	shalt  }
0x44: {  	_ =	shalt  }
0x45: {  	_ =	shalt  }
0x46: {  	_ =	shalt  }
0x47: {  	_ =	shalt  }
0x48: {  	_ =	shalt  }
0x49: {  	_ =	shalt  }
0x4a: {  	_ =	shalt  }
0x4b: {  	_ =	shalt  }
0x4c: {  	_ =	shalt  }
0x4d: {  	_ =	shalt  }
0x4e: {  	_ =	shalt  }
0x4f: {  	_ =	shalt  }
0x50: {  	_ =	shalt  }
0x51: {  	_ =	shalt  }
0x52: {  	_ =	shalt  }
0x53: {  	_ =	shalt  }
0x54: {  	_ =	shalt  }
0x55: {  	_ =	shalt  }
0x56: {  	_ =	shalt  }
0x57: {  	_ =	shalt  }
0x58: {  	_ =	shalt  }
0x59: {  	_ =	shalt  }
0x5a: {  	_ =	shalt  }
0x5b: {  	_ =	shalt  }
0x5c: {  	_ =	shalt  }
0x5d: {  	_ =	shalt  }
0x5e: {  	_ =	shalt  }
0x5f: {  	_ =	shalt  }
0x60: {  	_ =	shalt  }
0x61: {  	_ =	shalt  }
0x62: {  	_ =	shalt  }
0x63: {  	_ =	shalt  }
0x64: {  	_ =	shalt  }
0x65: {  	_ =	shalt  }
0x66: {  	_ =	shalt  }
0x67: {  	_ =	shalt  }
0x68: {  	_ =	shalt  }
0x69: {  	_ =	shalt  }
0x6a: {  	_ =	shalt  }
0x6b: {  	_ =	shalt  }
0x6c: {  	_ =	shalt  }
0x6d: {  	_ =	shalt  }
0x6e: {  	_ =	shalt  }
0x6f: {  	_ =	shalt  }
0x70: {  	_ =	shalt  }
0x71: {  	_ =	shalt  }
0x72: {  	_ =	shalt  }
0x73: {  	_ =	shalt  }
0x74: {  	_ =	shalt  }
0x75: {  	_ =	shalt  }
0x76: {  	_ =	shalt  }
0x77: {  	_ =	shalt  }
0x78: {  	_ =	shalt  }
0x79: {  	_ =	shalt  }
0x7a: {  	_ =	shalt  }
0x7b: {  	_ =	shalt  }
0x7c: {  	_ =	shalt  }
0x7d: {  	_ =	shalt  }
0x7e: {  	_ =	shalt  }
0x7f: {  	_ =	shalt  }
0x80: {  	_ =	shalt  }
0x81: {  	_ =	shalt  }
0x82: {  	_ =	shalt  }
0x83: {  	_ =	shalt  }
0x84: {  	_ =	shalt  }
0x85: {  	_ =	shalt  }
0x86: {  	_ =	shalt  }
0x87: {  	_ =	shalt  }
.Lfunc_end0:
.L_simem_size_0:
called_computation_lowered:
.L_overlay_start_0:
0x88: {  	s2 =	sld [smem:$0x3FD9]  }
0x89: {  	s3 =	sld [smem:$0x3FFE];
	_ =	sdelay $0x1  }
0x8a: {  	s1 =	srdreg.scid  }
0x8b: {  	s0 =	sand.u32 $0x1, s1  }
0x8c: {  	s14 =	sshll.u32 s0, $0xA;
	s2 =	sadd.s32 s3, s2  }
0x8d: {  	s2 =	sadd.s32 s2, s14  }
0x8e: {  	[smem:$0x3FC1] =	sst s2  }
0x8f: {  	_ = 	snop  }
0x90: {  	s2 =	sld [smem:$0x3FD0]  }
0x91: {  	s15 =	sld [smem:$0x3FC8]  }
0x92: {  	s4 =	sld [smem:$0x3FC7]  }
0x93: {  	s6 =	simm.s32 $0xA;
	s7 =	simm.s32 $0x10;
	s5 =	sld [smem:$0x3FC6]  }
0x94: {  	[smem:s7], [sflag:s6] =	dma.local [hbm:s2], $0x1  }
0x95: {  	_ =	swait.eq [sflag:s6], $0x1  }
0x96: {  	[sflag:s6] =	ssyncset.done $0x0  }
0x97: {  	s16 =	sld [smem:$0x10];
	[sflag:s6] =	ssyncadd.s32 $0xFFFFFFFF  }
0x98: {  	s17 =	sld [smem:$0x11];
	(tm) =	ssettm $0x1  }
0x99: {  	s18 =	sld [smem:$0x3FFB];
	_ =	sdelay $0x3  }
0x9a: {  	_ =	strace s18  }
0x9b: {  	s7 =	sld [smem:$0x3FFC];
	_ =	sdelay $0x3  }
0x9c: {  	_ =	strace s7  }
0x9d: {  	s7 =	sld [smem:$0x3FFD];
	_ =	sdelay $0x3  }
0x9e: {  	_ =	strace s7  }
0x9f: {  	_ =	strace $0x8FFFFFFF  }
0xa0: {  	s19 =	sld [smem:$0x3FDB];
	_ =	sdelay $0x1  }
0xa1: {  	s8 =	simm.s32 $_scs_section_size  }
0xa2: {  	s9 =	simm.s32 $_size__tile_overlayer_lowered;
	s10 =	simm.s32 $_tile_overlayer_lowered  }
0xa3: {  	s22 =	simm.s32 $0x1BFF;
	s21 =	sshll.u32 s10, $0x1;
	s7 =	sadd.s32 s8, s19  }
0xa4: {  	s11 =	simm.s32 $0x0;
	s20 =	sshll.u32 s9, $0x1;
	s9 =	sadd.s32 s21, s7  }
0xa5: {  	[timem:s11], [sflag:s22] =	dma.local [hbm:s9], s20  }
0xa6: {  	_ =	swait.ge [sflag:s22], s20  }
0xa7: {  	s8 =	ssub.s32 $0x0, s20;
	[sflag:s22] =	ssyncset.done $0x0  }
0xa8: {  	[sflag:s22] =	ssyncadd.s32 s8;
	_ =	sdelay $0x1  }
0xa9: {  	s23 =	simm.s32 $0x1B8B  }
0xaa: {  	_ =	swait.ge [sflag:s23], $0x1  }
0xab: {  	[sflag:s23] =	ssyncset.done $0x0  }
0xac: {  	s25 =	simm.s32 $0x1B8E;
	s24 =	sld [smem:$0x3FFE];
	[sflag:s23] =	ssyncadd.s32 $0xFFFFFFFF  }
0xad: {  	s26 =	simm.s32 $execute0_lowered;
	[smem:$0x3FD2] =	sst s25  }
0xae: {  	s9 =	sshll.u32 s26, $0x1;
	_ =	strace $0x80000046;
	[dreg:$0x1] =	wrdreg $0xFFFFFFFF  }
0xaf: {  	s28 =	simm.s32 $_size_execute0_lowered;
	s7 =	sadd.s32 s7, s9;
	[dreg:$0x0] =	wrdreg $0x0  }
0xb0: {  	s9 =	sshll.u32 s28, $0x1;
	[dreg:$0x2] =	wrdreg s7  }
0xb1: {  	[dreg:$0x3] =	wrdreg s9  }
0xb2: {  	[dreg:$0x4] =	wrdreg $0xC0  }
0xb3: {  	_ =	task [dreg:s11], $0x5FFFF  }
0xb4: {  	[dreg:$0x1] =	wrdreg $0xFFFFFFFF  }
0xb5: {  	[dreg:$0x0] =	wrdreg $0x60  }
0xb6: {  	[dreg:$0x2] =	wrdreg s16  }
0xb7: {  	[dreg:$0x3] =	wrdreg s15  }
0xb8: {  	[dreg:$0x4] =	wrdreg s4  }
0xb9: {  	[dreg:$0x5] =	wrdreg s5  }
0xba: {  	[dreg:$0x6] =	wrdreg s24  }
0xbb: {  	[dreg:$0x7] =	wrdreg s17  }
0xbc: {  	[dreg:$0x8] =	wrdreg $0x16100  }
0xbd: {  	[dreg:$0x9] =	wrdreg $0x19CB00  }
0xbe: {  	[dreg:$0xa] =	wrdreg $0x9  }
0xbf: {  	_ =	task.clear_ibuf [dreg:s11], $0xBFFFF;
	_ =	strace $0x90000046  }
0xc0: {  	s29 =	simm.s32 $0x9;
	_ =	strace $0x80000048  }
0xc1: {  	_ =	swait.ge [sflag:s29], $0x1  }
0xc2: {  	[sflag:s29] =	ssyncadd.s32 $0xFFFFFFFF  }
0xc3: {  	_ =	strace $0x90000048  }
0xc4: {  	_ =	sfence  }
0xc5: {  	s30 =	sld [smem:$0x0];
	_ =	sdelay $0x2  }
0xc6: {  	s31 =	sshll.u32 s1, $0xD;
	s1 =	sshrl.u32 s1, $0x2  }
0xc7: {  	s3 =	sand.u32 $0x4000, s31;
	s1 =	sadd.s32 s1, s30  }
0xc8: {  	s0 =	sor.u32 s3, s0;
	s1 =	sshll.u32 s1, $0x11  }
0xc9: {  	s0 =	sor.u32 s1, s0  }
0xca: {  	s0 =	sadd.s32 $0x8F2B, s0  }
0xcb: {  	[sflag:s0] =	ssyncadd.remote.s32 $0x1  }
0xcc: {  	_ =	sfence.sel $0xFFFF  }
0xcd: {  	[dreg:$0x0] =	wrdreg $0xFFFFFFFF;
	(pc) =	sbr.abs _section_cstart, $3  }
0xce: {  	[dreg:$0x1] =	wrdreg $0xFFFFFFFF  }
0xcf: {  	_ =	task.clear_ibuf [dreg:s11], $0x2FFFF;
	_ =	strace $0x9FFFFFFF  }
0xd0: {  	(tm) =	ssettm $0x7FFFFFFF  }
0xd1: {  	_ =	shalt  }
tec
execute0_lowered:
.L_overlay_start_1:
0x0: {  	(tag) =	ssettag $0x1  }
0x1: {  	s0 =	rddreg [dreg:$0x0]  }
0x2: {  	s1 =	rddreg [dreg:$0x1]  }
0x3: {  	s2 =	rddreg [dreg:$0x2]  }
0x4: {  	s3 =	rddreg [dreg:$0x4]  }
0x5: {  	s7 =	rddreg [dreg:$0x6];
	s4 =	srdreg.scid  }
0x6: {  	s19 =	stileid.u32;
	s8 =	rddreg [dreg:$0x7];
	s9 =	simm.s32 $0x0  }
0x7: {  	s23 =	simm.s32 $0x3;
	s28 =	simm.s32 $0x200;
	s29 =	simm.s32 $0x1  }
0x8: {  	s30 =	simm.s32 $0x1200;
	s31 =	simm.s32 $0x2;
	s5 =	smul.u32 $0xC38, s19  }
0x9: {  	s4 =	sand.u32 $0x1, s4;
	[smem:$0x7FF] =	sst s9;
	s12 =	smul.u32 $0x61C00, s19  }
0xa: {  	s10 =	sadd.s32 $0x1000, s3;
	s11 =	sadd.s32 $0x31E00, s3;
	s13 =	smul.u32 $0x18700, s19  }
0xb: {  	p0 =	slt.u32 s19, $0xA;
	s17 =	sadd.s32 $0x16E900, s7;
	s18 =	sadd.s32 $0x5BA40, s8  }
0xc: {  	s6 =	smul.u32 $0xC350, s4;
	_ =	strace $0x80000047;
	s4 =	ssub.s32 $0x2, s4  }
0xd: {  	s25 =	sshrl.u32 s4, $0x1;
	s12 =	sshrl.u32 s12, $0x2;
	s26 =	sshrl.u32 s13, $0x2  }
0xe: {  	s13 =	sshll.u32 s19, $0x7;
	s5 =	sadd.s32 s5, s6;
	s4 =	ssub.s32 s4, s25  }
0xf: {  	s21 =	sadd.s32 s26, s8;
	s25 =	simm.s32 $0x100;
	s24 =	sshll.u32 s5, $0x2  }
0x10: {  	v0 =	vlaneseq.u32;
	v1 =	vmov s6;
	s26 =	simm.s32 $0x180;
	s6 =	simm.s32 $0x0;
	s9 =	sadd.s32 s24, s3  }
0x11: {  	v0 =	vmul.u32 $0x8, v0;
	s3 =	sadd.s32 s5, s3;
	s5 =	sadd.s32 s12, s7;
	s12 =	simm.s32 $0x187  }
0x12: {  	s16 =	smax.u32 s4, $0x1;
	s24 =	simm.s32 $0x80;
	s12 =	simm.s32 @!p0 $0x186  }
0x13: {  	v2 =	vor.u32 $0x80, v0;
	s14 =	sadd.s32 $0x35000, s9;
	p0 =	seq.s32 s19, $0xF;
	s15 =	sadd.s32 $0x96C00, s3  }
0x14: {  	v3 =	vor.u32 $0x100, v0;
	v4 =	vor.u32 $0x180, v0;
	v5 =	vor.u32 $0x200, v0;
	s3 =	sshll.u32 @!p0 s19, $0x6;
	s17 =	sshrl.u32 @p0 s17, $0x3;
	s18 =	sshrl.u32 @p0 s18, $0x3  }
0x15: {  	v6 =	vor.u32 $0x280, v0;
	v7 =	vor.u32 $0x300, v0;
	v8 =	vor.u32 $0x380, v0;
	s20 =	sshrl.u32 @!p0 s5, $0x3;
	s21 =	sshrl.u32 @!p0 s21, $0x3;
	s19 =	sor.u32 @!p0 $0x1C03, s3  }
.LBB2_1:
0x16: {  	s3 =	simm.s32 @p0 $0x1FC3;
	s4 =	simm.s32 @p0 $0x3  }
0x17: {  	[spmem:s17], [sflag:s3] =	dma.local @p0 [hbm:s11], $0x3020  }
0x18: {  	_ =	swait.ge @p0 [sflag:s4], $0x3020  }
0x19: {  	[sflag:s4] =	ssyncset.done @p0 $0x0  }
0x1a: {  	[sflag:s4] =	ssyncadd.s32 @p0 $0xFFFFCFE0  }
0x1b: {  	s5 =	rddreg [dreg:$0x5]  }
0x1c: {  	[spmem:s18], [sflag:s3] =	dma.local @p0 [hbm:s5], $0xC08  }
0x1d: {  	_ =	swait.ge @p0 [sflag:s4], $0xC08  }
0x1e: {  	[sflag:s4] =	ssyncset.done @p0 $0x0  }
0x1f: {  	s3 =	simm.s32 @!p0 $0x3;
	[sflag:s4] =	ssyncadd.s32 @p0 $0xFFFFF3F8  }
0x20: {  	[spmem:s20], [sflag:s19] =	dma.local @!p0 [hbm:s11], $0x30E0  }
0x21: {  	_ =	swait.ge @!p0 [sflag:s3], $0x30E0  }
0x22: {  	[sflag:s3] =	ssyncset.done @!p0 $0x0  }
0x23: {  	[sflag:s3] =	ssyncadd.s32 @!p0 $0xFFFFCF20  }
0x24: {  	[spmem:s21], [sflag:s19] =	dma.local @!p0 [hbm:s5], $0xC38  }
0x25: {  	_ =	swait.ge @!p0 [sflag:s3], $0xC38  }
0x26: {  	[sflag:s3] =	ssyncset.done @!p0 $0x0  }
0x27: {  	[sflag:s3] =	ssyncadd.s32 @!p0 $0xFFFFF3C8  }
0x28: {  	s9 =	simm.s32 $0x0;
	s22 =	simm.s32 $0x1600;
	s3 =	rddreg [dreg:$0x3]  }
0x29: {  	[tilespmem:s22], [sflag:$0x3] =	stream.linear.gather [hbm4b:s3+s9], $0x10, $0x38;
	[tilespmem:$0x1A8E8] =	vst v63  }
0x2a: {  	_ =	swait.ge [sflag:s23], $0x10  }
0x2b: {  	[sflag:s23] =	ssyncset.done $0x0  }
0x2c: {  	[sflag:s23] =	ssyncadd.s32 $0xFFFFFFF0  }
0x2d: {  	[bflag:$0x0] =	sbarrier.arrive $0xFFFF  }
0x2e: {  	s4 =	simm.s32 $0x0;
	v9 =	vld [tilespmem:$0x1600]  }
.LBB2_2:
0x2f: {  	s3 =	sshll.u32 s4, $0xB  }
0x30: {  	s3 =	sor.u32 s13, s3  }
0x31: {  	s3 =	sshrl.u32 s3, $0x3  }
0x32: {  	s5 =	simm.s32 $0x0;
	s3 =	sadd.s32 s10, s3  }
0x33: {  	[tilespmem:s5], [sflag:$0x3] =	stream.linear.gather [hbm4b:s3+s5], $0x80, $0x38;
	[tilespmem:$0x1A8E8] =	vst v63  }
0x34: {  	_ =	swait.ge [sflag:s23], $0x80  }
0x35: {  	[sflag:s23] =	ssyncset.done $0x0  }
0x36: {  	s3 =	sadd.s32 $0x186A0, s3;
	[sflag:s23] =	ssyncadd.s32 $0xFFFFFF80  }
0x37: {  	[tilespmem:s24], [sflag:$0x3] =	stream.linear.gather [hbm4b:s3+s5], $0x80, $0x38;
	[tilespmem:$0x1A8E8] =	vst v63  }
0x38: {  	_ =	swait.ge [sflag:s23], $0x80  }
0x39: {  	[sflag:s23] =	ssyncset.done $0x0  }
0x3a: {  	[sflag:s23] =	ssyncadd.s32 $0xFFFFFF80  }
0x3b: {  	v10 =	vld [tilespmem:$0x0]  }
0x3c: {  	v11 =	vld [tilespmem:$0x10]  }
0x3d: {  	v12 =	vld [tilespmem:$0x20]  }
0x3e: {  	v13 =	vld [tilespmem:$0x30]  }
0x3f: {  	v14 =	vld [tilespmem:$0x40]  }
0x40: {  	v15 =	vld [tilespmem:$0x50];
	v10 =	vadd.s32 v1, v10  }
0x41: {  	[tilespmem:$0x0] =	vst v10;
	v10 =	vadd.s32 v1, v11;
	v11 =	vld [tilespmem:$0x60]  }
0x42: {  	[tilespmem:$0x10] =	vst v10;
	v10 =	vadd.s32 v1, v12;
	v12 =	vld [tilespmem:$0x70]  }
0x43: {  	[tilespmem:$0x20] =	vst v10;
	v10 =	vadd.s32 v1, v13  }
0x44: {  	[tilespmem:$0x30] =	vst v10;
	v10 =	vadd.s32 v1, v14  }
0x45: {  	[tilespmem:$0x40] =	vst v10;
	v10 =	vadd.s32 v1, v15  }
0x46: {  	[tilespmem:$0x50] =	vst v10;
	v10 =	vadd.s32 v1, v11  }
0x47: {  	[tilespmem:$0x60] =	vst v10;
	v10 =	vadd.s32 v1, v12  }
0x48: {  	[tilespmem:$0x70] =	vst v10  }
0x49: {  	[tilespmem:s25], [sflag:$0x1] =	stream.indirect.gather [hbm4b:s1+s24], $0x1, s5, s24, $0xb8;
	[tilespmem:$0x1A8E8] =	vst v63  }
0x4a: {  	_ = 	snop  }
0x4b: {  	[tilespmem:s26], [sflag:$0x1] =	stream.indirect.gather [hbm4b:s2+s24], $0x1, s24, s24, $0xb8;
	[tilespmem:$0x1A8E8] =	vst v63  }
0x4c: {  	_ = 	snop  }
0x4d: {  	[tilespmem:s28], [sflag:$0x1] =	stream.indirect.gather [hbm4b:s0+s24], $0x20, s5, s24, $0xb8;
	[tilespmem:$0x1A8E8] =	vst v63  }
0x4e: {  	_ =	swait.ge [sflag:s29], $0x80  }
0x4f: {  	[sflag:s29] =	ssyncset.done $0x0  }
0x50: {  	[sflag:s29] =	ssyncadd.s32 $0xFFFFFF80  }
0x51: {  	_ =	swait.ge [sflag:s29], $0x80  }
0x52: {  	[sflag:s29] =	ssyncset.done $0x0  }
0x53: {  	[sflag:s29] =	ssyncadd.s32 $0xFFFFFF80  }
0x54: {  	_ =	swait.ge [sflag:s29], $0x1000  }
0x55: {  	[sflag:s29] =	ssyncset.done $0x0  }
0x56: {  	[sflag:s29] =	ssyncadd.s32 $0xFFFFF000  }
0x57: {  	v10 =	vld [tilespmem:$0x100]  }
0x58: {  	v11 =	vld [tilespmem:$0x180];
	_ =	sdelay $0x4  }
0x59: {  	v10 =	vadd.f32 v11, v10;
	v11 =	vadd.f32 v11, v9;
	_ =	sdelay $0x1  }
0x5a: {  	v12 =	vmul.f32 $2.000000030e-01, v10;
	v13 =	vmul.f32 $2.000000030e-01, v11;
	_ =	sdelay $0x1  }
0x5b: {  	v10 =	vmax.f32 v10, v12;
	v11 =	vmax.f32 v11, v13  }
0x5c: {  	v10 =	vsub.f32 v10, v11;
	_ =	sdelay $0x1  }
0x5d: {  	v10 =	vmul.f32 $1.442695020e+00, v10;
	_ =	sdelay $0x1  }
0x5e: {  	(erf) = vpow2.f32 v10;
	_ =	sdelay $0x8  }
0x5f: {  	v10 =	vpop (erf)  }
0x60: {  	[tilespmem:v0+s30+$0x0] =	vst.idx.msk $0xffff, v10  }
0x61: {  	v10 =	vld [tilespmem:$0x110]  }
0x62: {  	v11 =	vld [tilespmem:$0x190];
	_ =	sdelay $0x4  }
0x63: {  	v10 =	vadd.f32 v11, v10;
	v11 =	vadd.f32 v11, v9;
	_ =	sdelay $0x1  }
0x64: {  	v12 =	vmul.f32 $2.000000030e-01, v10;
	v13 =	vmul.f32 $2.000000030e-01, v11;
	_ =	sdelay $0x1  }
0x65: {  	v10 =	vmax.f32 v10, v12;
	v11 =	vmax.f32 v11, v13  }
0x66: {  	v10 =	vsub.f32 v10, v11;
	_ =	sdelay $0x1  }
0x67: {  	v10 =	vmul.f32 $1.442695020e+00, v10;
	_ =	sdelay $0x1  }
0x68: {  	(erf) = vpow2.f32 v10;
	_ =	sdelay $0x8  }
0x69: {  	v10 =	vpop (erf)  }
0x6a: {  	[tilespmem:v2+s30+$0x0] =	vst.idx.msk $0xffff, v10  }
0x6b: {  	v10 =	vld [tilespmem:$0x120]  }
0x6c: {  	v11 =	vld [tilespmem:$0x1A0];
	_ =	sdelay $0x4  }
0x6d: {  	v10 =	vadd.f32 v11, v10;
	v11 =	vadd.f32 v11, v9;
	_ =	sdelay $0x1  }
0x6e: {  	v12 =	vmul.f32 $2.000000030e-01, v10;
	v13 =	vmul.f32 $2.000000030e-01, v11;
	_ =	sdelay $0x1  }
0x6f: {  	v10 =	vmax.f32 v10, v12;
	v11 =	vmax.f32 v11, v13  }
0x70: {  	v10 =	vsub.f32 v10, v11;
	_ =	sdelay $0x1  }
0x71: {  	v10 =	vmul.f32 $1.442695020e+00, v10;
	_ =	sdelay $0x1  }
0x72: {  	(erf) = vpow2.f32 v10;
	_ =	sdelay $0x8  }
0x73: {  	v10 =	vpop (erf)  }
0x74: {  	[tilespmem:v3+s30+$0x0] =	vst.idx.msk $0xffff, v10  }
0x75: {  	v10 =	vld [tilespmem:$0x130]  }
0x76: {  	v11 =	vld [tilespmem:$0x1B0];
	_ =	sdelay $0x4  }
0x77: {  	v10 =	vadd.f32 v11, v10;
	v11 =	vadd.f32 v11, v9;
	_ =	sdelay $0x1  }
0x78: {  	v12 =	vmul.f32 $2.000000030e-01, v10;
	v13 =	vmul.f32 $2.000000030e-01, v11;
	_ =	sdelay $0x1  }
0x79: {  	v10 =	vmax.f32 v10, v12;
	v11 =	vmax.f32 v11, v13  }
0x7a: {  	v10 =	vsub.f32 v10, v11;
	_ =	sdelay $0x1  }
0x7b: {  	v10 =	vmul.f32 $1.442695020e+00, v10;
	_ =	sdelay $0x1  }
0x7c: {  	(erf) = vpow2.f32 v10;
	_ =	sdelay $0x8  }
0x7d: {  	v10 =	vpop (erf)  }
0x7e: {  	[tilespmem:v4+s30+$0x0] =	vst.idx.msk $0xffff, v10  }
0x7f: {  	v10 =	vld [tilespmem:$0x140]  }
0x80: {  	v11 =	vld [tilespmem:$0x1C0];
	_ =	sdelay $0x4  }
0x81: {  	v10 =	vadd.f32 v11, v10;
	v11 =	vadd.f32 v11, v9;
	_ =	sdelay $0x1  }
0x82: {  	v12 =	vmul.f32 $2.000000030e-01, v10;
	v13 =	vmul.f32 $2.000000030e-01, v11;
	_ =	sdelay $0x1  }
0x83: {  	v10 =	vmax.f32 v10, v12;
	v11 =	vmax.f32 v11, v13  }
0x84: {  	v10 =	vsub.f32 v10, v11;
	_ =	sdelay $0x1  }
0x85: {  	v10 =	vmul.f32 $1.442695020e+00, v10;
	_ =	sdelay $0x1  }
0x86: {  	(erf) = vpow2.f32 v10;
	_ =	sdelay $0x8  }
0x87: {  	v10 =	vpop (erf)  }
0x88: {  	[tilespmem:v5+s30+$0x0] =	vst.idx.msk $0xffff, v10  }
0x89: {  	v10 =	vld [tilespmem:$0x150]  }
0x8a: {  	v11 =	vld [tilespmem:$0x1D0];
	_ =	sdelay $0x4  }
0x8b: {  	v10 =	vadd.f32 v11, v10;
	v11 =	vadd.f32 v11, v9;
	_ =	sdelay $0x1  }
0x8c: {  	v12 =	vmul.f32 $2.000000030e-01, v10;
	v13 =	vmul.f32 $2.000000030e-01, v11;
	_ =	sdelay $0x1  }
0x8d: {  	v10 =	vmax.f32 v10, v12;
	v11 =	vmax.f32 v11, v13  }
0x8e: {  	v10 =	vsub.f32 v10, v11;
	_ =	sdelay $0x1  }
0x8f: {  	v10 =	vmul.f32 $1.442695020e+00, v10;
	_ =	sdelay $0x1  }
0x90: {  	(erf) = vpow2.f32 v10;
	_ =	sdelay $0x8  }
0x91: {  	v10 =	vpop (erf)  }
0x92: {  	[tilespmem:v6+s30+$0x0] =	vst.idx.msk $0xffff, v10  }
0x93: {  	v10 =	vld [tilespmem:$0x160]  }
0x94: {  	v11 =	vld [tilespmem:$0x1E0];
	_ =	sdelay $0x4  }
0x95: {  	v10 =	vadd.f32 v11, v10;
	v11 =	vadd.f32 v11, v9;
	_ =	sdelay $0x1  }
0x96: {  	v12 =	vmul.f32 $2.000000030e-01, v10;
	v13 =	vmul.f32 $2.000000030e-01, v11;
	_ =	sdelay $0x1  }
0x97: {  	v10 =	vmax.f32 v10, v12;
	v11 =	vmax.f32 v11, v13  }
0x98: {  	v10 =	vsub.f32 v10, v11;
	_ =	sdelay $0x1  }
0x99: {  	v10 =	vmul.f32 $1.442695020e+00, v10;
	_ =	sdelay $0x1  }
0x9a: {  	(erf) = vpow2.f32 v10;
	_ =	sdelay $0x8  }
0x9b: {  	v10 =	vpop (erf)  }
0x9c: {  	[tilespmem:v7+s30+$0x0] =	vst.idx.msk $0xffff, v10  }
0x9d: {  	v10 =	vld [tilespmem:$0x170]  }
0x9e: {  	v11 =	vld [tilespmem:$0x1F0];
	_ =	sdelay $0x4  }
0x9f: {  	v10 =	vadd.f32 v11, v10;
	v11 =	vadd.f32 v11, v9;
	_ =	sdelay $0x1  }
0xa0: {  	v12 =	vmul.f32 $2.000000030e-01, v10;
	v13 =	vmul.f32 $2.000000030e-01, v11;
	_ =	sdelay $0x1  }
0xa1: {  	v10 =	vmax.f32 v10, v12;
	v11 =	vmax.f32 v11, v13  }
0xa2: {  	v10 =	vsub.f32 v10, v11;
	_ =	sdelay $0x1  }
0xa3: {  	v10 =	vmul.f32 $1.442695020e+00, v10;
	_ =	sdelay $0x1  }
0xa4: {  	(erf) = vpow2.f32 v10;
	_ =	sdelay $0x5  }
0xa5: {  	s22 =	simm.s32 $0x0  }
0xa6: {  	v11 =	vmov s22;
	_ =	sdelay $0x1  }
0xa7: {  	v10 =	vpop (erf)  }
0xa8: {  	s3 =	simm.s32 $0x210;
	[tilespmem:v8+s30+$0x0] =	vst.idx.msk $0xffff, v10  }
0xa9: {  	v10 =	vld [tilespmem:s3+$0xFFFFFFF0]  }
0xaa: {  	v11 =	vld.idx.msk [tilespmem:v11+s30+$0x0], $0xffff  }
0xab: {  	v12 =	vld [tilespmem:s3+$0x0];
	_ =	sdelay $0x2  }
0xac: {  	s9 =	simm.s32 $0x210;
	s5 =	simm.s32 $0x8;
	s22 =	simm.s32 $0x2  }
.LBB2_3:
0xad: {  	p1 =	sne.s32 s22, $0x7F;
	v13 =	vmov s5  }
0xae: {  	v10 =	vmul.f32 v10, v11;
	v11 =	vmul.f32 v12, v11;
	_ =	sdelay $0x1  }
0xaf: {  	s9 =	sadd.s32 $0x20, s9;
	[tilespmem:s3+$0xFFFFFFF0] =	vst v10  }
0xb0: {  	v10 =	vld [tilespmem:s9+$0xFFFFFFF0];
	[tilespmem:s3+$0x0] =	vst v11;
	s3 =	smov.u32 s9  }
.Ltmp0:
0xb1: {  	v11 =	vld.idx.msk [tilespmem:v13+s30+$0x0], $0xffff;
	(pc) =	sbr.rel @p1 .LBB2_3-.Ltmp0, $2  }
0xb2: {  	v12 =	vld [tilespmem:s9+$0x0];
	_ =	sdelay $0x2  }
0xb3: {  	s5 =	sshll.u32 s22, $0x3;
	s22 =	sadd.s32 $0x1, s22  }
0xb4: {  	v13 =	vmov s5  }
0xb5: {  	v10 =	vmul.f32 v10, v11  }
0xb6: {  	v11 =	vmul.f32 v12, v11  }
0xb7: {  	s22 =	sadd.s32 $0x20, s9;
	[tilespmem:s3+$0xFFFFFFF0] =	vst v10  }
0xb8: {  	v10 =	vld [tilespmem:s22+$0xFFFFFFF0];
	[tilespmem:s3+$0x0] =	vst v11  }
0xb9: {  	v11 =	vld.idx.msk [tilespmem:v13+s30+$0x0], $0xffff  }
0xba: {  	v63 =	vld [tilespmem:s22+$0x0];
	_ =	sdelay $0x3  }
0xbb: {  	v10 =	vmul.f32 v10, v11  }
0xbc: {  	v11 =	vmul.f32 v63, v11  }
0xbd: {  	[tilespmem:s22+$0xFFFFFFF0] =	vst v10  }
0xbe: {  	[tilespmem:s22+$0x0] =	vst v11  }
0xbf: {  	[spmem:s8] =	stream.indirect.scatter.add.f32 [tilespmem:s30], [sflag:$0x2], $0x1, s24, s24, $0xb8;
	[tilespmem:$0x1A8E8] =	vst v63  }
0xc0: {  	s4 =	sadd.s32 $0x1, s4  }
0xc1: {  	[spmem:s7] =	stream.indirect.scatter.add.f32 [tilespmem:s28], [sflag:$0x2], $0x20, s24, s24, $0xb8;
	[tilespmem:$0x1A8E8] =	vst v63  }
0xc2: {  	p1 =	sne.s32 s4, s12;
	_ =	swait.ge [sflag:s31], $0x80  }
.Ltmp1:
0xc3: {  	[sflag:s31] =	ssyncset.done $0x0;
	(pc) =	sbr.rel @p1 .LBB2_2-.Ltmp1, $4  }
0xc4: {  	[sflag:s31] =	ssyncadd.s32 $0xFFFFFF80  }
0xc5: {  	_ =	swait.ge [sflag:s31], $0x1000  }
0xc6: {  	[sflag:s31] =	ssyncset.done $0x0  }
0xc7: {  	[sflag:s31] =	ssyncadd.s32 $0xFFFFF000  }
0xc8: {  	[bflag:$0x0] =	sbarrier.arrive $0xFFFF;
	s3 =	simm.s32 @p0 $0x1FC3;
	s4 =	simm.s32 @p0 $0x3  }
0xc9: {  	[hbm:s14], [sflag:s3] =	dma.local @p0 [spmem:s17], $0x3020  }
0xca: {  	_ =	swait.ge @p0 [sflag:s4], $0x3020  }
0xcb: {  	[sflag:s4] =	ssyncset.done @p0 $0x0  }
0xcc: {  	[sflag:s4] =	ssyncadd.s32 @p0 $0xFFFFCFE0  }
0xcd: {  	[hbm:s15], [sflag:s3] =	dma.local @p0 [spmem:s18], $0xC08  }
0xce: {  	_ =	swait.ge @p0 [sflag:s4], $0xC08  }
0xcf: {  	[sflag:s4] =	ssyncset.done @p0 $0x0  }
0xd0: {  	s3 =	simm.s32 @!p0 $0x3;
	[sflag:s4] =	ssyncadd.s32 @p0 $0xFFFFF3F8  }
0xd1: {  	[hbm:s14], [sflag:s19] =	dma.local @!p0 [spmem:s20], $0x30E0  }
0xd2: {  	s6 =	sadd.s32 $0x1, s6;
	_ =	swait.ge @!p0 [sflag:s3], $0x30E0  }
0xd3: {  	p1 =	sne.s32 s6, s16;
	[sflag:s3] =	ssyncset.done @!p0 $0x0  }
.Ltmp2:
0xd4: {  	[sflag:s3] =	ssyncadd.s32 @!p0 $0xFFFFCF20;
	(pc) =	sbr.rel @p1 .LBB2_1-.Ltmp2, $4  }
0xd5: {  	[hbm:s15], [sflag:s19] =	dma.local @!p0 [spmem:s21], $0xC38  }
0xd6: {  	_ =	swait.ge @!p0 [sflag:s3], $0xC38  }
0xd7: {  	[sflag:s3] =	ssyncset.done @!p0 $0x0  }
0xd8: {  	[sflag:s3] =	ssyncadd.s32 @!p0 $0xFFFFF3C8  }
0xd9: {  	_ =	sfence.sel $0x180000  }
0xda: {  	[bflag:$0x0] =	sbarrier.arrive $0xFFFF  }
0xdb: {  	_ =	strace $0x90000047  }
0xdc: {  	s0 =	stileid.u32;
	[bflag:$0x2] =	sbarrier.arrive $0xFFFF  }
0xdd: {  	p0 =	sne.s32 s0, $0x0;
	s0 =	rddreg [dreg:$0x8]  }
0xde: {  	s0 =	sadd.s32 @!p0 $0x100000, s0  }
0xdf: {  	[sflag:s0] =	ssyncadd.tile.s32 @!p0 $0x1;
	_ =	shalt  }
.Lfunc_end2:
_tile_overlayer_lowered:
.L_overlay_start_2:
0xe0: {  	(tag) =	ssettag $0x2  }
0xe1: {  	s0 =	rddreg [dreg:$0x0];
	s2 =	stileid.u32  }
0xe2: {  	s1 =	rddreg [dreg:$0x1];
	p0 =	sne.s32 s2, $0x0  }
0xe3: {  	s3 =	rddreg [dreg:$0x2];
	[bflag:$0x3] =	sbarrier.arrive $0xFFFF;
	s2 =	simm.s32 @!p0 $0x1C03  }
0xe4: {  	[timem:s3], [sflag:s2] =	dma.local @!p0 [hbm:s0], s1  }
0xe5: {  	s0 =	simm.s32 @!p0 $0x3  }
0xe6: {  	_ =	swait.ge @!p0 [sflag:s0], s1  }
0xe7: {  	s1 =	ssub.s32 @!p0 $0x0, s1;
	[sflag:s0] =	ssyncset.done @!p0 $0x0  }
0xe8: {  	[sflag:s0] =	ssyncadd.s32 @!p0 s1  }
0xe9: {  	[bflag:$0x3] =	sbarrier.arrive $0xFFFF  }
0xea: {  	_ =	shalt  }

</sc_bundles>
